<compile_context>
chip_gen: v7x
topology: tpu7x:2x2x1
jax: 0.10.2.dev20260603
libtpu: 0.0.44.dev20260713+nightly
codegen_flags: <defaults>
</compile_context>

<pallas_src>
import functools

import jax
import jax.numpy as jnp
from jax import lax
from jax.experimental import pallas as pl
from jax.experimental.pallas import tpu as pltpu
from jax.experimental.pallas import tpu_sc as plsc

Q = 1024
D = 128
KTOT = 100000
W = 2048
S = W // 128
T = (KTOT + W - 1) // W
KPAD = T * W
NB = KPAD // 128
NEG = float("-inf")
BIGI = 2**30

NWORK = 32
RPW = (Q * 8) // NWORK


def _stage_a(q_ref, k_ref, sim_ref, blk_ref, flat_ref, bm_s):
    t = pl.program_id(0)
    q = q_ref[...]
    qn = q / jnp.maximum(jnp.sqrt(jnp.sum(q * q, axis=1, keepdims=True)), 1e-8)
    k = k_ref[...]
    kn = k / jnp.maximum(jnp.sqrt(jnp.sum(k * k, axis=1, keepdims=True)), 1e-8)
    sim = lax.dot_general(
        qn, kn, (((1,), (1,)), ((), ())),
        preferred_element_type=jnp.float32,
    )
    col = lax.broadcasted_iota(jnp.int32, (Q, W), 1)
    sim = jnp.where(col + t * W < KTOT, sim, NEG)

    for j in range(S):
        sim_ref[0, :, j, :] = sim[:, j * 128:(j + 1) * 128]

    simt = lax.dot_general(
        kn, qn, (((1,), (1,)), ((), ())),
        preferred_element_type=jnp.float32,
    )
    rowi = lax.broadcasted_iota(jnp.int32, (W, Q), 0)
    simt = jnp.where(rowi + t * W < KTOT, simt, NEG)
    for j in range(S):
        bm_s[t, j, :] = jnp.max(simt[j * 128:(j + 1) * 128, :], axis=0)

    @pl.when(t == T - 1)
    def _select():
        bm = bm_s[...]
        bid = (lax.broadcasted_iota(jnp.int32, (T, S, Q), 0) * S
               + lax.broadcasted_iota(jnp.int32, (T, S, Q), 1))
        mv, mi = [], []
        for _ in range(8):
            m = jnp.max(jnp.max(bm, axis=0), axis=0)
            eqi = jnp.where(bm == m[None, None, :], bid, BIGI)
            pick = jnp.min(jnp.min(eqi, axis=0), axis=0)
            mv.append(m)
            mi.append(pick)
            bm = jnp.where(bid == pick[None, None, :], NEG, bm)
        blk = jnp.stack(mi, axis=1)
        blk_ref[...] = blk
        rows = lax.broadcasted_iota(jnp.int32, (Q, 8), 0)
        flat_ref[...] = (blk // S) * (Q * S) + rows * S + (blk % S)


def _stage_a_call(queries, kp):
    return pl.pallas_call(
        _stage_a,
        grid=(T,),
        in_specs=[
            pl.BlockSpec((Q, D), lambda t: (0, 0)),
            pl.BlockSpec((W, D), lambda t: (t, 0)),
        ],
        out_specs=[
            pl.BlockSpec((1, Q, S, 128), lambda t: (t, 0, 0, 0)),
            pl.BlockSpec((Q, 8), lambda t: (0, 0)),
            pl.BlockSpec((Q, 8), lambda t: (0, 0)),
        ],
        out_shape=[
            jax.ShapeDtypeStruct((T, Q, S, 128), jnp.float32),
            jax.ShapeDtypeStruct((Q, 8), jnp.int32),
            jax.ShapeDtypeStruct((Q, 8), jnp.int32),
        ],
        scratch_shapes=[
            pltpu.VMEM((T, S, Q), jnp.float32),
        ],
        compiler_params=pltpu.CompilerParams(
            dimension_semantics=("arbitrary",),
        ),
    )(queries, kp)


def _sc_gather(sim_flat, flat_idx):
    mesh = plsc.VectorSubcoreMesh(core_axis_name="c", subcore_axis_name="s")

    @functools.partial(
        pl.kernel,
        mesh=mesh,
        out_type=jax.ShapeDtypeStruct((Q * 8, 128), jnp.float32),
        scratch_types=[
            pltpu.VMEM((2, 128), jnp.int32),
            pltpu.VMEM((RPW, 128), jnp.float32),
            pltpu.SemaphoreType.DMA,
        ],
    )
    def k(sim_hbm, idx_hbm, out_hbm, idx_v, rows_v, sem):
        wid = lax.axis_index("s") * 2 + lax.axis_index("c")
        base = wid * RPW
        for g in range(2):
            pltpu.sync_copy(idx_hbm.at[pl.ds(base + g * 128, 128)], idx_v.at[g])
            pltpu.async_copy(
                sim_hbm.at[idx_v.at[g]],
                rows_v.at[pl.ds(g * 128, 128)],
                sem,
            ).wait()
        pltpu.sync_copy(rows_v, out_hbm.at[pl.ds(base, RPW)])

    return k(sim_flat, flat_idx)


def _stage_c(cand_ref, blk_ref, outv_ref, outi_ref):
    cv = cand_ref[...]
    blk = blk_ref[...]
    off = lax.broadcasted_iota(jnp.int32, (Q, 8, 128), 2)
    gidx = blk[:, :, None] * 128 + off
    mv, mi = [], []
    for _ in range(8):
        m = jnp.max(jnp.max(cv, axis=2), axis=1)
        eqi = jnp.where(cv == m[:, None, None], gidx, BIGI)
        pick = jnp.min(jnp.min(eqi, axis=2), axis=1)
        mv.append(m[:, None])
        mi.append(pick[:, None])
        cv = jnp.where(gidx == pick[:, None, None], NEG, cv)
    outv_ref[...] = jnp.concatenate(mv, axis=1)
    outi_ref[...] = jnp.concatenate(mi, axis=1)


def _stage_c_call(cand, blk):
    return pl.pallas_call(
        _stage_c,
        out_shape=[
            jax.ShapeDtypeStruct((Q, 8), jnp.float32),
            jax.ShapeDtypeStruct((Q, 8), jnp.int32),
        ],
    )(cand, blk)


def kernel(queries, keys, top_k):
    kp = jnp.pad(keys, ((0, KPAD - KTOT), (0, 0)))
    sim4, blk, flat = _stage_a_call(queries, kp)
    cand = _sc_gather(sim4.reshape(Q * NB, 128), flat.reshape(Q * 8))
    outv, outi = _stage_c_call(cand.reshape(Q, 8, 128), blk)
    return outv, outi + jnp.asarray(top_k - 8, jnp.int32)

# --- scband reference (transcript-rebuilt; emitter-appended) ---
"""Pipeline reference for scband-hierarchy-engine-62620623175816 (READ-ONLY COPY).

The authoritative reference and input builder live on the scoring server;
editing this copy changes nothing except your own understanding.
"""

import jax, jax.numpy as jnp
import numpy as np


def setup_inputs(seed: int = 0) -> dict:
    key = jax.random.key(seed)
    kq, kk = jax.random.split(key)
    queries = jax.random.normal(kq, (1024, 128), dtype=jnp.float32)
    keys = jax.random.normal(kk, (100000, 128), dtype=jnp.float32)
    return {"queries": queries, "keys": keys, "top_k": 8}


def reference(queries, keys, top_k):
    # Faithful translation of KernelPool.find_best_match: cosine similarity
    # between query embeddings and the pooled kernel state embeddings,
    # followed by top-k retrieval (the retrieval core of HierarchyEngine's
    # kernel-matching pipeline).
    eps = 1e-8
    q_norm = jnp.maximum(jnp.linalg.norm(queries, axis=-1, keepdims=True), eps)
    k_norm = jnp.maximum(jnp.linalg.norm(keys, axis=-1, keepdims=True), eps)
    qn = queries / q_norm
    kn = keys / k_norm
    sim = qn @ kn.T  # [Q, K] cosine similarity, same as F.cosine_similarity broadcast
    k_static = 8
    topk_vals, topk_idx = jax.lax.top_k(sim, k_static)
    topk_idx = topk_idx + jnp.asarray(top_k - k_static, dtype=topk_idx.dtype)
    return topk_vals, topk_idx

if __name__ == "__main__":
    import jax
    _d = setup_inputs()
    print(jax.jit(kernel)(*tuple(_d.values())))

</pallas_src>

<mosaic_0001>
#map = affine_map<(d0, d1) -> (0, 0)>
#map1 = affine_map<(d0, d1) -> (0)>
module attributes {stable_mosaic.version = 14 : i64} {
  func.func @k(%arg0: i32, %arg1: i32, %arg2: memref<802816x128xf32, #tpu.memory_space<hbm>>, %arg3: memref<8192xi32, #tpu.memory_space<hbm>>, %arg4: memref<8192x128xf32, #tpu.memory_space<hbm>>, %arg5: memref<2x128xi32, #tpu.memory_space<vmem>>, %arg6: memref<256x128xf32, #tpu.memory_space<vmem>>, %arg7: memref<!tpu.dma_semaphore, #tpu.memory_space<semaphore_mem>>) attributes {dimension_semantics = [#tpu.dimension_semantics<core_parallel>, #tpu.dimension_semantics<subcore_parallel>], iteration_bounds = array<i64: 2, 16>, scalar_prefetch = 0 : i64, scratch_operands = 3 : i64, tpu.core_type = #tpu.core_type<sc_vector_subcore>, window_params = [{transform_indices = #map}, {transform_indices = #map1}, {transform_indices = #map}]} {
    %mul3A = arith.constant 2 : i32
    %mul3A_0 = arith.muli %arg1, %mul3A : i32
    %add3A = arith.addi %mul3A_0, %arg0 : i32
    %mul3A_1 = arith.constant 256 : i32
    %mul3A_2 = arith.muli %add3A, %mul3A_1 : i32
    %add3A_3 = arith.constant 0 : i32
    %add3A_4 = arith.addi %mul3A_2, %add3A_3 : i32
    %run_scoped3A = arith.constant 0 : i32
    "tpu.region"() ({
      %run_scoped3A_46 = tpu.sem_alloc : memref<!tpu.dma_semaphore, #tpu.memory_space<semaphore_mem>>
      %dma_start3A_47 = arith.constant 0 : i32
      %dma_start3A_48 = tpu.memref_slice %arg5[%run_scoped3A, %dma_start3A_47] : memref<2x128xi32, #tpu.memory_space<vmem>> -> memref<1x128xi32, #tpu.memory_space<vmem>>
      %dma_start3A_49 = tpu.memref_squeeze %dma_start3A_48 : memref<1x128xi32, #tpu.memory_space<vmem>> -> memref<128xi32, #tpu.memory_space<vmem>>
      %dma_start3A_50 = tpu.memref_slice %arg3[%add3A_4] : memref<8192xi32, #tpu.memory_space<hbm>> -> memref<128xi32, #tpu.memory_space<hbm>>
      %dma_start3A_51 = arith.constant 0 : i32
      %dma_start3A_52 = tpu.memref_slice %arg5[%run_scoped3A, %dma_start3A_51] : memref<2x128xi32, #tpu.memory_space<vmem>> -> memref<1x128xi32, #tpu.memory_space<vmem>>
      %dma_start3A_53 = tpu.memref_squeeze %dma_start3A_52 : memref<1x128xi32, #tpu.memory_space<vmem>> -> memref<128xi32, #tpu.memory_space<vmem>>
      %dma_start3A_54 = tpu.memref_slice %arg3[%add3A_4] : memref<8192xi32, #tpu.memory_space<hbm>> -> memref<128xi32, #tpu.memory_space<hbm>>
      tpu.enqueue_dma source(%dma_start3A_54 : memref<128xi32, #tpu.memory_space<hbm>>) target(%dma_start3A_53 : memref<128xi32, #tpu.memory_space<vmem>>) target_semaphore(%run_scoped3A_46 : memref<!tpu.dma_semaphore, #tpu.memory_space<semaphore_mem>>)
      %dma_wait3A_55 = arith.constant 0 : i32
      %dma_wait3A_56 = tpu.memref_slice %arg5[%run_scoped3A, %dma_wait3A_55] : memref<2x128xi32, #tpu.memory_space<vmem>> -> memref<1x128xi32, #tpu.memory_space<vmem>>
      %dma_wait3A_57 = tpu.memref_squeeze %dma_wait3A_56 : memref<1x128xi32, #tpu.memory_space<vmem>> -> memref<128xi32, #tpu.memory_space<vmem>>
      %dma_wait3A_58 = tpu.memref_slice %arg3[%add3A_4] : memref<8192xi32, #tpu.memory_space<hbm>> -> memref<128xi32, #tpu.memory_space<hbm>>
      %dma_wait3A_59 = arith.constant 0 : i32
      %dma_wait3A_60 = tpu.memref_slice %arg5[%run_scoped3A, %dma_wait3A_59] : memref<2x128xi32, #tpu.memory_space<vmem>> -> memref<1x128xi32, #tpu.memory_space<vmem>>
      %dma_wait3A_61 = tpu.memref_squeeze %dma_wait3A_60 : memref<1x128xi32, #tpu.memory_space<vmem>> -> memref<128xi32, #tpu.memory_space<vmem>>
      %dma_wait3A_62 = tpu.memref_slice %arg3[%add3A_4] : memref<8192xi32, #tpu.memory_space<hbm>> -> memref<128xi32, #tpu.memory_space<hbm>>
      tpu.wait_dma2 semaphore(%run_scoped3A_46 : memref<!tpu.dma_semaphore, #tpu.memory_space<semaphore_mem>>) src(%dma_wait3A_62 : memref<128xi32, #tpu.memory_space<hbm>>) dst(%dma_wait3A_61 : memref<128xi32, #tpu.memory_space<vmem>>)
      tpu.yield
    }) : () -> ()
    %dma_start3A = arith.constant 0 : i32
    %dma_start3A_5 = arith.constant 0 : i32
    %dma_start3A_6 = arith.constant 0 : i32
    %dma_start3A_7 = tpu.memref_slice %arg6[%dma_start3A_5, %dma_start3A_6] : memref<256x128xf32, #tpu.memory_space<vmem>> -> memref<128x128xf32, #tpu.memory_space<vmem>>
    %dma_start3A_8 = arith.constant 0 : i32
    %dma_start3A_9 = tpu.memref_slice %arg5[%dma_start3A, %dma_start3A_8] : memref<2x128xi32, #tpu.memory_space<vmem>> -> memref<1x128xi32, #tpu.memory_space<vmem>>
    %dma_start3A_10 = tpu.memref_squeeze %dma_start3A_9 : memref<1x128xi32, #tpu.memory_space<vmem>> -> memref<128xi32, #tpu.memory_space<vmem>>
    %dma_start3A_11 = arith.constant 0 : i32
    %dma_start3A_12 = arith.constant 0 : i32
    %dma_start3A_13 = tpu.memref_slice %arg2[%dma_start3A_11, %dma_start3A_12] : memref<802816x128xf32, #tpu.memory_space<hbm>> -> memref<802816x128xf32, #tpu.memory_space<hbm>>
    tpu.enqueue_indirect_dma source(%dma_start3A_13 : memref<802816x128xf32, #tpu.memory_space<hbm>>) target(%dma_start3A_7 : memref<128x128xf32, #tpu.memory_space<vmem>>) offsets(%dma_start3A_10 : memref<128xi32, #tpu.memory_space<vmem>>) semaphore(%arg7 : memref<!tpu.dma_semaphore, #tpu.memory_space<semaphore_mem>>)
    %dma_wait3A = arith.constant 0 : i32
    %dma_wait3A_14 = arith.constant 0 : i32
    %dma_wait3A_15 = arith.constant 0 : i32
    %dma_wait3A_16 = tpu.memref_slice %arg6[%dma_wait3A_14, %dma_wait3A_15] : memref<256x128xf32, #tpu.memory_space<vmem>> -> memref<128x128xf32, #tpu.memory_space<vmem>>
    %dma_wait3A_17 = arith.constant 0 : i32
    %dma_wait3A_18 = tpu.memref_slice %arg5[%dma_wait3A, %dma_wait3A_17] : memref<2x128xi32, #tpu.memory_space<vmem>> -> memref<1x128xi32, #tpu.memory_space<vmem>>
    %dma_wait3A_19 = tpu.memref_squeeze %dma_wait3A_18 : memref<1x128xi32, #tpu.memory_space<vmem>> -> memref<128xi32, #tpu.memory_space<vmem>>
    %dma_wait3A_20 = arith.constant 0 : i32
    %dma_wait3A_21 = arith.constant 0 : i32
    %dma_wait3A_22 = tpu.memref_slice %arg2[%dma_wait3A_20, %dma_wait3A_21] : memref<802816x128xf32, #tpu.memory_space<hbm>> -> memref<802816x128xf32, #tpu.memory_space<hbm>>
    tpu.wait_indirect_dma semaphore(%arg7 : memref<!tpu.dma_semaphore, #tpu.memory_space<semaphore_mem>>) src(%dma_wait3A_22 : memref<802816x128xf32, #tpu.memory_space<hbm>>) dst(%dma_wait3A_16 : memref<128x128xf32, #tpu.memory_space<vmem>>)
    %add3A_23 = arith.constant 128 : i32
    %add3A_24 = arith.addi %mul3A_2, %add3A_23 : i32
    %run_scoped3A_25 = arith.constant 1 : i32
    "tpu.region"() ({
      %run_scoped3A_46 = tpu.sem_alloc : memref<!tpu.dma_semaphore, #tpu.memory_space<semaphore_mem>>
      %dma_start3A_47 = arith.constant 0 : i32
      %dma_start3A_48 = tpu.memref_slice %arg5[%run_scoped3A_25, %dma_start3A_47] : memref<2x128xi32, #tpu.memory_space<vmem>> -> memref<1x128xi32, #tpu.memory_space<vmem>>
      %dma_start3A_49 = tpu.memref_squeeze %dma_start3A_48 : memref<1x128xi32, #tpu.memory_space<vmem>> -> memref<128xi32, #tpu.memory_space<vmem>>
      %dma_start3A_50 = tpu.memref_slice %arg3[%add3A_24] : memref<8192xi32, #tpu.memory_space<hbm>> -> memref<128xi32, #tpu.memory_space<hbm>>
      %dma_start3A_51 = arith.constant 0 : i32
      %dma_start3A_52 = tpu.memref_slice %arg5[%run_scoped3A_25, %dma_start3A_51] : memref<2x128xi32, #tpu.memory_space<vmem>> -> memref<1x128xi32, #tpu.memory_space<vmem>>
      %dma_start3A_53 = tpu.memref_squeeze %dma_start3A_52 : memref<1x128xi32, #tpu.memory_space<vmem>> -> memref<128xi32, #tpu.memory_space<vmem>>
      %dma_start3A_54 = tpu.memref_slice %arg3[%add3A_24] : memref<8192xi32, #tpu.memory_space<hbm>> -> memref<128xi32, #tpu.memory_space<hbm>>
      tpu.enqueue_dma source(%dma_start3A_54 : memref<128xi32, #tpu.memory_space<hbm>>) target(%dma_start3A_53 : memref<128xi32, #tpu.memory_space<vmem>>) target_semaphore(%run_scoped3A_46 : memref<!tpu.dma_semaphore, #tpu.memory_space<semaphore_mem>>)
      %dma_wait3A_55 = arith.constant 0 : i32
      %dma_wait3A_56 = tpu.memref_slice %arg5[%run_scoped3A_25, %dma_wait3A_55] : memref<2x128xi32, #tpu.memory_space<vmem>> -> memref<1x128xi32, #tpu.memory_space<vmem>>
      %dma_wait3A_57 = tpu.memref_squeeze %dma_wait3A_56 : memref<1x128xi32, #tpu.memory_space<vmem>> -> memref<128xi32, #tpu.memory_space<vmem>>
      %dma_wait3A_58 = tpu.memref_slice %arg3[%add3A_24] : memref<8192xi32, #tpu.memory_space<hbm>> -> memref<128xi32, #tpu.memory_space<hbm>>
      %dma_wait3A_59 = arith.constant 0 : i32
      %dma_wait3A_60 = tpu.memref_slice %arg5[%run_scoped3A_25, %dma_wait3A_59] : memref<2x128xi32, #tpu.memory_space<vmem>> -> memref<1x128xi32, #tpu.memory_space<vmem>>
      %dma_wait3A_61 = tpu.memref_squeeze %dma_wait3A_60 : memref<1x128xi32, #tpu.memory_space<vmem>> -> memref<128xi32, #tpu.memory_space<vmem>>
      %dma_wait3A_62 = tpu.memref_slice %arg3[%add3A_24] : memref<8192xi32, #tpu.memory_space<hbm>> -> memref<128xi32, #tpu.memory_space<hbm>>
      tpu.wait_dma2 semaphore(%run_scoped3A_46 : memref<!tpu.dma_semaphore, #tpu.memory_space<semaphore_mem>>) src(%dma_wait3A_62 : memref<128xi32, #tpu.memory_space<hbm>>) dst(%dma_wait3A_61 : memref<128xi32, #tpu.memory_space<vmem>>)
      tpu.yield
    }) : () -> ()
    %dma_start3A_26 = arith.constant 1 : i32
    %dma_start3A_27 = arith.constant 128 : i32
    %dma_start3A_28 = arith.constant 0 : i32
    %dma_start3A_29 = tpu.memref_slice %arg6[%dma_start3A_27, %dma_start3A_28] : memref<256x128xf32, #tpu.memory_space<vmem>> -> memref<128x128xf32, #tpu.memory_space<vmem>>
    %dma_start3A_30 = arith.constant 0 : i32
    %dma_start3A_31 = tpu.memref_slice %arg5[%dma_start3A_26, %dma_start3A_30] : memref<2x128xi32, #tpu.memory_space<vmem>> -> memref<1x128xi32, #tpu.memory_space<vmem>>
    %dma_start3A_32 = tpu.memref_squeeze %dma_start3A_31 : memref<1x128xi32, #tpu.memory_space<vmem>> -> memref<128xi32, #tpu.memory_space<vmem>>
    %dma_start3A_33 = arith.constant 0 : i32
    %dma_start3A_34 = arith.constant 0 : i32
    %dma_start3A_35 = tpu.memref_slice %arg2[%dma_start3A_33, %dma_start3A_34] : memref<802816x128xf32, #tpu.memory_space<hbm>> -> memref<802816x128xf32, #tpu.memory_space<hbm>>
    tpu.enqueue_indirect_dma source(%dma_start3A_35 : memref<802816x128xf32, #tpu.memory_space<hbm>>) target(%dma_start3A_29 : memref<128x128xf32, #tpu.memory_space<vmem>>) offsets(%dma_start3A_32 : memref<128xi32, #tpu.memory_space<vmem>>) semaphore(%arg7 : memref<!tpu.dma_semaphore, #tpu.memory_space<semaphore_mem>>)
    %dma_wait3A_36 = arith.constant 1 : i32
    %dma_wait3A_37 = arith.constant 128 : i32
    %dma_wait3A_38 = arith.constant 0 : i32
    %dma_wait3A_39 = tpu.memref_slice %arg6[%dma_wait3A_37, %dma_wait3A_38] : memref<256x128xf32, #tpu.memory_space<vmem>> -> memref<128x128xf32, #tpu.memory_space<vmem>>
    %dma_wait3A_40 = arith.constant 0 : i32
    %dma_wait3A_41 = tpu.memref_slice %arg5[%dma_wait3A_36, %dma_wait3A_40] : memref<2x128xi32, #tpu.memory_space<vmem>> -> memref<1x128xi32, #tpu.memory_space<vmem>>
    %dma_wait3A_42 = tpu.memref_squeeze %dma_wait3A_41 : memref<1x128xi32, #tpu.memory_space<vmem>> -> memref<128xi32, #tpu.memory_space<vmem>>
    %dma_wait3A_43 = arith.constant 0 : i32
    %dma_wait3A_44 = arith.constant 0 : i32
    %dma_wait3A_45 = tpu.memref_slice %arg2[%dma_wait3A_43, %dma_wait3A_44] : memref<802816x128xf32, #tpu.memory_space<hbm>> -> memref<802816x128xf32, #tpu.memory_space<hbm>>
    tpu.wait_indirect_dma semaphore(%arg7 : memref<!tpu.dma_semaphore, #tpu.memory_space<semaphore_mem>>) src(%dma_wait3A_45 : memref<802816x128xf32, #tpu.memory_space<hbm>>) dst(%dma_wait3A_39 : memref<128x128xf32, #tpu.memory_space<vmem>>)
    "tpu.region"() ({
      %run_scoped3A_46 = tpu.sem_alloc : memref<!tpu.dma_semaphore, #tpu.memory_space<semaphore_mem>>
      %dma_start3A_47 = arith.constant 0 : i32
      %dma_start3A_48 = tpu.memref_slice %arg4[%mul3A_2, %dma_start3A_47] : memref<8192x128xf32, #tpu.memory_space<hbm>> -> memref<256x128xf32, #tpu.memory_space<hbm>>
      %dma_start3A_49 = arith.constant 0 : i32
      %dma_start3A_50 = tpu.memref_slice %arg4[%mul3A_2, %dma_start3A_49] : memref<8192x128xf32, #tpu.memory_space<hbm>> -> memref<256x128xf32, #tpu.memory_space<hbm>>
      tpu.enqueue_dma source(%arg6 : memref<256x128xf32, #tpu.memory_space<vmem>>) target(%dma_start3A_50 : memref<256x128xf32, #tpu.memory_space<hbm>>) target_semaphore(%run_scoped3A_46 : memref<!tpu.dma_semaphore, #tpu.memory_space<semaphore_mem>>)
      %dma_wait3A_51 = arith.constant 0 : i32
      %dma_wait3A_52 = tpu.memref_slice %arg4[%mul3A_2, %dma_wait3A_51] : memref<8192x128xf32, #tpu.memory_space<hbm>> -> memref<256x128xf32, #tpu.memory_space<hbm>>
      %dma_wait3A_53 = arith.constant 0 : i32
      %dma_wait3A_54 = tpu.memref_slice %arg4[%mul3A_2, %dma_wait3A_53] : memref<8192x128xf32, #tpu.memory_space<hbm>> -> memref<256x128xf32, #tpu.memory_space<hbm>>
      tpu.wait_dma2 semaphore(%run_scoped3A_46 : memref<!tpu.dma_semaphore, #tpu.memory_space<semaphore_mem>>) src(%arg6 : memref<256x128xf32, #tpu.memory_space<vmem>>) dst(%dma_wait3A_54 : memref<256x128xf32, #tpu.memory_space<hbm>>)
      tpu.yield
    }) : () -> ()
    return
  }
}

module attributes {stable_mosaic.version = 14 : i64} {
  func.func @_stage_c(%arg0: memref<1024x8x128xf32, #tpu.memory_space<vmem>>, %arg1: memref<1024x8xi32, #tpu.memory_space<vmem>>, %arg2: memref<1024x8xf32, #tpu.memory_space<vmem>>, %arg3: memref<1024x8xi32, #tpu.memory_space<vmem>>) attributes {dimension_semantics = [], scalar_prefetch = 0 : i64, scratch_operands = 0 : i64, tpu.core_type = #tpu.core_type<tc>} {
    %get3A = arith.constant 0 : index
    %get3A_0 = arith.constant 0 : index
    %get3A_1 = arith.constant 0 : index
    %get3A_2 = vector.load %arg0[%get3A, %get3A_0, %get3A_1] : memref<1024x8x128xf32, #tpu.memory_space<vmem>>, vector<1024x8x128xf32>
    %get3A_3 = arith.constant 0 : index
    %get3A_4 = arith.constant 0 : index
    %get3A_5 = vector.load %arg1[%get3A_3, %get3A_4] : memref<1024x8xi32, #tpu.memory_space<vmem>>, vector<1024x8xi32>
    %iota3A = tpu.iota {dimensions = array<i32: 2>} : vector<1024x8x128xi32>
    %broadcast_in_dim3A = vector.shape_cast %get3A_5 : vector<1024x8xi32> to vector<1024x8x1xi32>
    %mul3A = arith.constant 128 : i32
    %mul3A_6 = vector.broadcast %mul3A : i32 to vector<1024x8x1xi32>
    %mul3A_7 = arith.muli %broadcast_in_dim3A, %mul3A_6 : vector<1024x8x1xi32>
    %add3A = vector.broadcast %mul3A_7 : vector<1024x8x1xi32> to vector<1024x8x128xi32>
    %add3A_8 = arith.addi %add3A, %iota3A : vector<1024x8x128xi32>
    %reduce_max3A = arith.constant dense<0xFF800000> : vector<1024x8xf32>
    %reduce_max3A_9 = vector.multi_reduction <maximumf>, %get3A_2, %reduce_max3A [2] : vector<1024x8x128xf32> to vector<1024x8xf32>
    %reduce_max3A_10 = arith.constant dense<0xFF800000> : vector<1024xf32>
    %reduce_max3A_11 = vector.multi_reduction <maximumf>, %reduce_max3A_9, %reduce_max3A_10 [1] : vector<1024x8xf32> to vector<1024xf32>
    %broadcast_in_dim3A_12 = vector.shape_cast %reduce_max3A_11 : vector<1024xf32> to vector<1024x1x1xf32>
    %eq3A = vector.broadcast %broadcast_in_dim3A_12 : vector<1024x1x1xf32> to vector<1024x8x128xf32>
    %eq3A_13 = arith.cmpf oeq, %get3A_2, %eq3A : vector<1024x8x128xf32>
    %jit3A = arith.constant 1073741824 : i32
    %broadcast_in_dim3A_14 = vector.broadcast %jit3A : i32 to vector<1024x8x128xi32>
    %select_n3A = arith.select %eq3A_13, %add3A_8, %broadcast_in_dim3A_14 : vector<1024x8x128xi1>, vector<1024x8x128xi32>
    %reduce_min3A = arith.constant dense<2147483647> : vector<1024x8xi32>
    %reduce_min3A_15 = vector.multi_reduction <minsi>, %select_n3A, %reduce_min3A [2] : vector<1024x8x128xi32> to vector<1024x8xi32>
    %reduce_min3A_16 = arith.constant dense<2147483647> : vector<1024xi32>
    %reduce_min3A_17 = vector.multi_reduction <minsi>, %reduce_min3A_15, %reduce_min3A_16 [1] : vector<1024x8xi32> to vector<1024xi32>
    %broadcast_in_dim3A_18 = vector.shape_cast %reduce_max3A_11 : vector<1024xf32> to vector<1024x1xf32>
    %broadcast_in_dim3A_19 = vector.shape_cast %reduce_min3A_17 : vector<1024xi32> to vector<1024x1xi32>
    %broadcast_in_dim3A_20 = vector.shape_cast %reduce_min3A_17 : vector<1024xi32> to vector<1024x1x1xi32>
    %eq3A_21 = vector.broadcast %broadcast_in_dim3A_20 : vector<1024x1x1xi32> to vector<1024x8x128xi32>
    %eq3A_22 = arith.cmpi eq, %add3A_8, %eq3A_21 : vector<1024x8x128xi32>
    %jit3A_23 = arith.constant 0xFF800000 : f32
    %broadcast_in_dim3A_24 = vector.broadcast %jit3A_23 : f32 to vector<1024x8x128xf32>
    %select_n3A_25 = arith.select %eq3A_22, %broadcast_in_dim3A_24, %get3A_2 : vector<1024x8x128xi1>, vector<1024x8x128xf32>
    %reduce_max3A_26 = arith.constant dense<0xFF800000> : vector<1024x8xf32>
    %reduce_max3A_27 = vector.multi_reduction <maximumf>, %select_n3A_25, %reduce_max3A_26 [2] : vector<1024x8x128xf32> to vector<1024x8xf32>
    %reduce_max3A_28 = arith.constant dense<0xFF800000> : vector<1024xf32>
    %reduce_max3A_29 = vector.multi_reduction <maximumf>, %reduce_max3A_27, %reduce_max3A_28 [1] : vector<1024x8xf32> to vector<1024xf32>
    %broadcast_in_dim3A_30 = vector.shape_cast %reduce_max3A_29 : vector<1024xf32> to vector<1024x1x1xf32>
    %eq3A_31 = vector.broadcast %broadcast_in_dim3A_30 : vector<1024x1x1xf32> to vector<1024x8x128xf32>
    %eq3A_32 = arith.cmpf oeq, %select_n3A_25, %eq3A_31 : vector<1024x8x128xf32>
    %jit3A_33 = arith.constant 1073741824 : i32
    %broadcast_in_dim3A_34 = vector.broadcast %jit3A_33 : i32 to vector<1024x8x128xi32>
    %select_n3A_35 = arith.select %eq3A_32, %add3A_8, %broadcast_in_dim3A_34 : vector<1024x8x128xi1>, vector<1024x8x128xi32>
    %reduce_min3A_36 = arith.constant dense<2147483647> : vector<1024x8xi32>
    %reduce_min3A_37 = vector.multi_reduction <minsi>, %select_n3A_35, %reduce_min3A_36 [2] : vector<1024x8x128xi32> to vector<1024x8xi32>
    %reduce_min3A_38 = arith.constant dense<2147483647> : vector<1024xi32>
    %reduce_min3A_39 = vector.multi_reduction <minsi>, %reduce_min3A_37, %reduce_min3A_38 [1] : vector<1024x8xi32> to vector<1024xi32>
    %broadcast_in_dim3A_40 = vector.shape_cast %reduce_max3A_29 : vector<1024xf32> to vector<1024x1xf32>
    %broadcast_in_dim3A_41 = vector.shape_cast %reduce_min3A_39 : vector<1024xi32> to vector<1024x1xi32>
    %broadcast_in_dim3A_42 = vector.shape_cast %reduce_min3A_39 : vector<1024xi32> to vector<1024x1x1xi32>
    %eq3A_43 = vector.broadcast %broadcast_in_dim3A_42 : vector<1024x1x1xi32> to vector<1024x8x128xi32>
    %eq3A_44 = arith.cmpi eq, %add3A_8, %eq3A_43 : vector<1024x8x128xi32>
    %jit3A_45 = arith.constant 0xFF800000 : f32
    %broadcast_in_dim3A_46 = vector.broadcast %jit3A_45 : f32 to vector<1024x8x128xf32>
    %select_n3A_47 = arith.select %eq3A_44, %broadcast_in_dim3A_46, %select_n3A_25 : vector<1024x8x128xi1>, vector<1024x8x128xf32>
    %reduce_max3A_48 = arith.constant dense<0xFF800000> : vector<1024x8xf32>
    %reduce_max3A_49 = vector.multi_reduction <maximumf>, %select_n3A_47, %reduce_max3A_48 [2] : vector<1024x8x128xf32> to vector<1024x8xf32>
    %reduce_max3A_50 = arith.constant dense<0xFF800000> : vector<1024xf32>
    %reduce_max3A_51 = vector.multi_reduction <maximumf>, %reduce_max3A_49, %reduce_max3A_50 [1] : vector<1024x8xf32> to vector<1024xf32>
    %broadcast_in_dim3A_52 = vector.shape_cast %reduce_max3A_51 : vector<1024xf32> to vector<1024x1x1xf32>
    %eq3A_53 = vector.broadcast %broadcast_in_dim3A_52 : vector<1024x1x1xf32> to vector<1024x8x128xf32>
    %eq3A_54 = arith.cmpf oeq, %select_n3A_47, %eq3A_53 : vector<1024x8x128xf32>
    %jit3A_55 = arith.constant 1073741824 : i32
    %broadcast_in_dim3A_56 = vector.broadcast %jit3A_55 : i32 to vector<1024x8x128xi32>
    %select_n3A_57 = arith.select %eq3A_54, %add3A_8, %broadcast_in_dim3A_56 : vector<1024x8x128xi1>, vector<1024x8x128xi32>
    %reduce_min3A_58 = arith.constant dense<2147483647> : vector<1024x8xi32>
    %reduce_min3A_59 = vector.multi_reduction <minsi>, %select_n3A_57, %reduce_min3A_58 [2] : vector<1024x8x128xi32> to vector<1024x8xi32>
    %reduce_min3A_60 = arith.constant dense<2147483647> : vector<1024xi32>
    %reduce_min3A_61 = vector.multi_reduction <minsi>, %reduce_min3A_59, %reduce_min3A_60 [1] : vector<1024x8xi32> to vector<1024xi32>
    %broadcast_in_dim3A_62 = vector.shape_cast %reduce_max3A_51 : vector<1024xf32> to vector<1024x1xf32>
    %broadcast_in_dim3A_63 = vector.shape_cast %reduce_min3A_61 : vector<1024xi32> to vector<1024x1xi32>
    %broadcast_in_dim3A_64 = vector.shape_cast %reduce_min3A_61 : vector<1024xi32> to vector<1024x1x1xi32>
    %eq3A_65 = vector.broadcast %broadcast_in_dim3A_64 : vector<1024x1x1xi32> to vector<1024x8x128xi32>
    %eq3A_66 = arith.cmpi eq, %add3A_8, %eq3A_65 : vector<1024x8x128xi32>
    %jit3A_67 = arith.constant 0xFF800000 : f32
    %broadcast_in_dim3A_68 = vector.broadcast %jit3A_67 : f32 to vector<1024x8x128xf32>
    %select_n3A_69 = arith.select %eq3A_66, %broadcast_in_dim3A_68, %select_n3A_47 : vector<1024x8x128xi1>, vector<1024x8x128xf32>
    %reduce_max3A_70 = arith.constant dense<0xFF800000> : vector<1024x8xf32>
    %reduce_max3A_71 = vector.multi_reduction <maximumf>, %select_n3A_69, %reduce_max3A_70 [2] : vector<1024x8x128xf32> to vector<1024x8xf32>
    %reduce_max3A_72 = arith.constant dense<0xFF800000> : vector<1024xf32>
    %reduce_max3A_73 = vector.multi_reduction <maximumf>, %reduce_max3A_71, %reduce_max3A_72 [1] : vector<1024x8xf32> to vector<1024xf32>
    %broadcast_in_dim3A_74 = vector.shape_cast %reduce_max3A_73 : vector<1024xf32> to vector<1024x1x1xf32>
    %eq3A_75 = vector.broadcast %broadcast_in_dim3A_74 : vector<1024x1x1xf32> to vector<1024x8x128xf32>
    %eq3A_76 = arith.cmpf oeq, %select_n3A_69, %eq3A_75 : vector<1024x8x128xf32>
    %jit3A_77 = arith.constant 1073741824 : i32
    %broadcast_in_dim3A_78 = vector.broadcast %jit3A_77 : i32 to vector<1024x8x128xi32>
    %select_n3A_79 = arith.select %eq3A_76, %add3A_8, %broadcast_in_dim3A_78 : vector<1024x8x128xi1>, vector<1024x8x128xi32>
    %reduce_min3A_80 = arith.constant dense<2147483647> : vector<1024x8xi32>
    %reduce_min3A_81 = vector.multi_reduction <minsi>, %select_n3A_79, %reduce_min3A_80 [2] : vector<1024x8x128xi32> to vector<1024x8xi32>
    %reduce_min3A_82 = arith.constant dense<2147483647> : vector<1024xi32>
    %reduce_min3A_83 = vector.multi_reduction <minsi>, %reduce_min3A_81, %reduce_min3A_82 [1] : vector<1024x8xi32> to vector<1024xi32>
    %broadcast_in_dim3A_84 = vector.shape_cast %reduce_max3A_73 : vector<1024xf32> to vector<1024x1xf32>
    %broadcast_in_dim3A_85 = vector.shape_cast %reduce_min3A_83 : vector<1024xi32> to vector<1024x1xi32>
    %broadcast_in_dim3A_86 = vector.shape_cast %reduce_min3A_83 : vector<1024xi32> to vector<1024x1x1xi32>
    %eq3A_87 = vector.broadcast %broadcast_in_dim3A_86 : vector<1024x1x1xi32> to vector<1024x8x128xi32>
    %eq3A_88 = arith.cmpi eq, %add3A_8, %eq3A_87 : vector<1024x8x128xi32>
    %jit3A_89 = arith.constant 0xFF800000 : f32
    %broadcast_in_dim3A_90 = vector.broadcast %jit3A_89 : f32 to vector<1024x8x128xf32>
    %select_n3A_91 = arith.select %eq3A_88, %broadcast_in_dim3A_90, %select_n3A_69 : vector<1024x8x128xi1>, vector<1024x8x128xf32>
    %reduce_max3A_92 = arith.constant dense<0xFF800000> : vector<1024x8xf32>
    %reduce_max3A_93 = vector.multi_reduction <maximumf>, %select_n3A_91, %reduce_max3A_92 [2] : vector<1024x8x128xf32> to vector<1024x8xf32>
    %reduce_max3A_94 = arith.constant dense<0xFF800000> : vector<1024xf32>
    %reduce_max3A_95 = vector.multi_reduction <maximumf>, %reduce_max3A_93, %reduce_max3A_94 [1] : vector<1024x8xf32> to vector<1024xf32>
    %broadcast_in_dim3A_96 = vector.shape_cast %reduce_max3A_95 : vector<1024xf32> to vector<1024x1x1xf32>
    %eq3A_97 = vector.broadcast %broadcast_in_dim3A_96 : vector<1024x1x1xf32> to vector<1024x8x128xf32>
    %eq3A_98 = arith.cmpf oeq, %select_n3A_91, %eq3A_97 : vector<1024x8x128xf32>
    %jit3A_99 = arith.constant 1073741824 : i32
    %broadcast_in_dim3A_100 = vector.broadcast %jit3A_99 : i32 to vector<1024x8x128xi32>
    %select_n3A_101 = arith.select %eq3A_98, %add3A_8, %broadcast_in_dim3A_100 : vector<1024x8x128xi1>, vector<1024x8x128xi32>
    %reduce_min3A_102 = arith.constant dense<2147483647> : vector<1024x8xi32>
    %reduce_min3A_103 = vector.multi_reduction <minsi>, %select_n3A_101, %reduce_min3A_102 [2] : vector<1024x8x128xi32> to vector<1024x8xi32>
    %reduce_min3A_104 = arith.constant dense<2147483647> : vector<1024xi32>
    %reduce_min3A_105 = vector.multi_reduction <minsi>, %reduce_min3A_103, %reduce_min3A_104 [1] : vector<1024x8xi32> to vector<1024xi32>
    %broadcast_in_dim3A_106 = vector.shape_cast %reduce_max3A_95 : vector<1024xf32> to vector<1024x1xf32>
    %broadcast_in_dim3A_107 = vector.shape_cast %reduce_min3A_105 : vector<1024xi32> to vector<1024x1xi32>
    %broadcast_in_dim3A_108 = vector.shape_cast %reduce_min3A_105 : vector<1024xi32> to vector<1024x1x1xi32>
    %eq3A_109 = vector.broadcast %broadcast_in_dim3A_108 : vector<1024x1x1xi32> to vector<1024x8x128xi32>
    %eq3A_110 = arith.cmpi eq, %add3A_8, %eq3A_109 : vector<1024x8x128xi32>
    %jit3A_111 = arith.constant 0xFF800000 : f32
    %broadcast_in_dim3A_112 = vector.broadcast %jit3A_111 : f32 to vector<1024x8x128xf32>
    %select_n3A_113 = arith.select %eq3A_110, %broadcast_in_dim3A_112, %select_n3A_91 : vector<1024x8x128xi1>, vector<1024x8x128xf32>
    %reduce_max3A_114 = arith.constant dense<0xFF800000> : vector<1024x8xf32>
    %reduce_max3A_115 = vector.multi_reduction <maximumf>, %select_n3A_113, %reduce_max3A_114 [2] : vector<1024x8x128xf32> to vector<1024x8xf32>
    %reduce_max3A_116 = arith.constant dense<0xFF800000> : vector<1024xf32>
    %reduce_max3A_117 = vector.multi_reduction <maximumf>, %reduce_max3A_115, %reduce_max3A_116 [1] : vector<1024x8xf32> to vector<1024xf32>
    %broadcast_in_dim3A_118 = vector.shape_cast %reduce_max3A_117 : vector<1024xf32> to vector<1024x1x1xf32>
    %eq3A_119 = vector.broadcast %broadcast_in_dim3A_118 : vector<1024x1x1xf32> to vector<1024x8x128xf32>
    %eq3A_120 = arith.cmpf oeq, %select_n3A_113, %eq3A_119 : vector<1024x8x128xf32>
    %jit3A_121 = arith.constant 1073741824 : i32
    %broadcast_in_dim3A_122 = vector.broadcast %jit3A_121 : i32 to vector<1024x8x128xi32>
    %select_n3A_123 = arith.select %eq3A_120, %add3A_8, %broadcast_in_dim3A_122 : vector<1024x8x128xi1>, vector<1024x8x128xi32>
    %reduce_min3A_124 = arith.constant dense<2147483647> : vector<1024x8xi32>
    %reduce_min3A_125 = vector.multi_reduction <minsi>, %select_n3A_123, %reduce_min3A_124 [2] : vector<1024x8x128xi32> to vector<1024x8xi32>
    %reduce_min3A_126 = arith.constant dense<2147483647> : vector<1024xi32>
    %reduce_min3A_127 = vector.multi_reduction <minsi>, %reduce_min3A_125, %reduce_min3A_126 [1] : vector<1024x8xi32> to vector<1024xi32>
    %broadcast_in_dim3A_128 = vector.shape_cast %reduce_max3A_117 : vector<1024xf32> to vector<1024x1xf32>
    %broadcast_in_dim3A_129 = vector.shape_cast %reduce_min3A_127 : vector<1024xi32> to vector<1024x1xi32>
    %broadcast_in_dim3A_130 = vector.shape_cast %reduce_min3A_127 : vector<1024xi32> to vector<1024x1x1xi32>
    %eq3A_131 = vector.broadcast %broadcast_in_dim3A_130 : vector<1024x1x1xi32> to vector<1024x8x128xi32>
    %eq3A_132 = arith.cmpi eq, %add3A_8, %eq3A_131 : vector<1024x8x128xi32>
    %jit3A_133 = arith.constant 0xFF800000 : f32
    %broadcast_in_dim3A_134 = vector.broadcast %jit3A_133 : f32 to vector<1024x8x128xf32>
    %select_n3A_135 = arith.select %eq3A_132, %broadcast_in_dim3A_134, %select_n3A_113 : vector<1024x8x128xi1>, vector<1024x8x128xf32>
    %reduce_max3A_136 = arith.constant dense<0xFF800000> : vector<1024x8xf32>
    %reduce_max3A_137 = vector.multi_reduction <maximumf>, %select_n3A_135, %reduce_max3A_136 [2] : vector<1024x8x128xf32> to vector<1024x8xf32>
    %reduce_max3A_138 = arith.constant dense<0xFF800000> : vector<1024xf32>
    %reduce_max3A_139 = vector.multi_reduction <maximumf>, %reduce_max3A_137, %reduce_max3A_138 [1] : vector<1024x8xf32> to vector<1024xf32>
    %broadcast_in_dim3A_140 = vector.shape_cast %reduce_max3A_139 : vector<1024xf32> to vector<1024x1x1xf32>
    %eq3A_141 = vector.broadcast %broadcast_in_dim3A_140 : vector<1024x1x1xf32> to vector<1024x8x128xf32>
    %eq3A_142 = arith.cmpf oeq, %select_n3A_135, %eq3A_141 : vector<1024x8x128xf32>
    %jit3A_143 = arith.constant 1073741824 : i32
    %broadcast_in_dim3A_144 = vector.broadcast %jit3A_143 : i32 to vector<1024x8x128xi32>
    %select_n3A_145 = arith.select %eq3A_142, %add3A_8, %broadcast_in_dim3A_144 : vector<1024x8x128xi1>, vector<1024x8x128xi32>
    %reduce_min3A_146 = arith.constant dense<2147483647> : vector<1024x8xi32>
    %reduce_min3A_147 = vector.multi_reduction <minsi>, %select_n3A_145, %reduce_min3A_146 [2] : vector<1024x8x128xi32> to vector<1024x8xi32>
    %reduce_min3A_148 = arith.constant dense<2147483647> : vector<1024xi32>
    %reduce_min3A_149 = vector.multi_reduction <minsi>, %reduce_min3A_147, %reduce_min3A_148 [1] : vector<1024x8xi32> to vector<1024xi32>
    %broadcast_in_dim3A_150 = vector.shape_cast %reduce_max3A_139 : vector<1024xf32> to vector<1024x1xf32>
    %broadcast_in_dim3A_151 = vector.shape_cast %reduce_min3A_149 : vector<1024xi32> to vector<1024x1xi32>
    %broadcast_in_dim3A_152 = vector.shape_cast %reduce_min3A_149 : vector<1024xi32> to vector<1024x1x1xi32>
    %eq3A_153 = vector.broadcast %broadcast_in_dim3A_152 : vector<1024x1x1xi32> to vector<1024x8x128xi32>
    %eq3A_154 = arith.cmpi eq, %add3A_8, %eq3A_153 : vector<1024x8x128xi32>
    %jit3A_155 = arith.constant 0xFF800000 : f32
    %broadcast_in_dim3A_156 = vector.broadcast %jit3A_155 : f32 to vector<1024x8x128xf32>
    %select_n3A_157 = arith.select %eq3A_154, %broadcast_in_dim3A_156, %select_n3A_135 : vector<1024x8x128xi1>, vector<1024x8x128xf32>
    %reduce_max3A_158 = arith.constant dense<0xFF800000> : vector<1024x8xf32>
    %reduce_max3A_159 = vector.multi_reduction <maximumf>, %select_n3A_157, %reduce_max3A_158 [2] : vector<1024x8x128xf32> to vector<1024x8xf32>
    %reduce_max3A_160 = arith.constant dense<0xFF800000> : vector<1024xf32>
    %reduce_max3A_161 = vector.multi_reduction <maximumf>, %reduce_max3A_159, %reduce_max3A_160 [1] : vector<1024x8xf32> to vector<1024xf32>
    %broadcast_in_dim3A_162 = vector.shape_cast %reduce_max3A_161 : vector<1024xf32> to vector<1024x1x1xf32>
    %eq3A_163 = vector.broadcast %broadcast_in_dim3A_162 : vector<1024x1x1xf32> to vector<1024x8x128xf32>
    %eq3A_164 = arith.cmpf oeq, %select_n3A_157, %eq3A_163 : vector<1024x8x128xf32>
    %jit3A_165 = arith.constant 1073741824 : i32
    %broadcast_in_dim3A_166 = vector.broadcast %jit3A_165 : i32 to vector<1024x8x128xi32>
    %select_n3A_167 = arith.select %eq3A_164, %add3A_8, %broadcast_in_dim3A_166 : vector<1024x8x128xi1>, vector<1024x8x128xi32>
    %reduce_min3A_168 = arith.constant dense<2147483647> : vector<1024x8xi32>
    %reduce_min3A_169 = vector.multi_reduction <minsi>, %select_n3A_167, %reduce_min3A_168 [2] : vector<1024x8x128xi32> to vector<1024x8xi32>
    %reduce_min3A_170 = arith.constant dense<2147483647> : vector<1024xi32>
    %reduce_min3A_171 = vector.multi_reduction <minsi>, %reduce_min3A_169, %reduce_min3A_170 [1] : vector<1024x8xi32> to vector<1024xi32>
    %broadcast_in_dim3A_172 = vector.shape_cast %reduce_max3A_161 : vector<1024xf32> to vector<1024x1xf32>
    %broadcast_in_dim3A_173 = vector.shape_cast %reduce_min3A_171 : vector<1024xi32> to vector<1024x1xi32>
    %concatenate3A = tpu.concatenate %broadcast_in_dim3A_18, %broadcast_in_dim3A_40, %broadcast_in_dim3A_62, %broadcast_in_dim3A_84, %broadcast_in_dim3A_106, %broadcast_in_dim3A_128, %broadcast_in_dim3A_150, %broadcast_in_dim3A_172 in 1 : vector<1024x1xf32>, vector<1024x1xf32>, vector<1024x1xf32>, vector<1024x1xf32>, vector<1024x1xf32>, vector<1024x1xf32>, vector<1024x1xf32>, vector<1024x1xf32> -> vector<1024x8xf32>
    %swap3A = arith.constant 0 : index
    %swap3A_174 = arith.constant 0 : index
    %swap3A_175 = vector.load %arg2[%swap3A, %swap3A_174] : memref<1024x8xf32, #tpu.memory_space<vmem>>, vector<1024x8xf32>
    tpu.vector_store %arg2[%swap3A, %swap3A_174], %concatenate3A {strides = array<i32>} : memref<1024x8xf32, #tpu.memory_space<vmem>>, vector<1024x8xf32>,
    %concatenate3A_176 = tpu.concatenate %broadcast_in_dim3A_19, %broadcast_in_dim3A_41, %broadcast_in_dim3A_63, %broadcast_in_dim3A_85, %broadcast_in_dim3A_107, %broadcast_in_dim3A_129, %broadcast_in_dim3A_151, %broadcast_in_dim3A_173 in 1 : vector<1024x1xi32>, vector<1024x1xi32>, vector<1024x1xi32>, vector<1024x1xi32>, vector<1024x1xi32>, vector<1024x1xi32>, vector<1024x1xi32>, vector<1024x1xi32> -> vector<1024x8xi32>
    %swap3A_177 = arith.constant 0 : index
    %swap3A_178 = arith.constant 0 : index
    %swap3A_179 = vector.load %arg3[%swap3A_177, %swap3A_178] : memref<1024x8xi32, #tpu.memory_space<vmem>>, vector<1024x8xi32>
    tpu.vector_store %arg3[%swap3A_177, %swap3A_178], %concatenate3A_176 {strides = array<i32>} : memref<1024x8xi32, #tpu.memory_space<vmem>>, vector<1024x8xi32>,
    return
  }
}

module attributes {stable_mosaic.version = 14 : i64} {
  func.func @_stage_a(%arg0: i32, %arg1: memref<1024x128xf32, #tpu.memory_space<vmem>>, %arg2: memref<2048x128xf32, #tpu.memory_space<vmem>>, %arg3: memref<1x1024x16x128xf32, #tpu.memory_space<vmem>>, %arg4: memref<1024x8xi32, #tpu.memory_space<vmem>>, %arg5: memref<1024x8xi32, #tpu.memory_space<vmem>>, %arg6: memref<49x16x1024xf32, #tpu.memory_space<vmem>>) attributes {dimension_semantics = [#tpu.dimension_semantics<arbitrary>], iteration_bounds = array<i64: 49>, scalar_prefetch = 0 : i64, scratch_operands = 1 : i64, tpu.core_type = #tpu.core_type<tc>, window_params = [{pipeline_mode = #tpu.pipeline_mode<synchronous>, transform_indices = @transform_0, window_bounds = array<i64: 1024, 128>}, {transform_indices = @transform_1, window_bounds = array<i64: 2048, 128>}, {transform_indices = @transform_2, window_bounds = array<i64: 1, 1024, 16, 128>}, {pipeline_mode = #tpu.pipeline_mode<synchronous>, transform_indices = @transform_3, window_bounds = array<i64: 1024, 8>}, {pipeline_mode = #tpu.pipeline_mode<synchronous>, transform_indices = @transform_4, window_bounds = array<i64: 1024, 8>}]} {
    %get3A = arith.constant 0 : index
    %get3A_0 = arith.constant 0 : index
    %get3A_1 = vector.load %arg1[%get3A, %get3A_0] : memref<1024x128xf32, #tpu.memory_space<vmem>>, vector<1024x128xf32>
    %mul3A = arith.mulf %get3A_1, %get3A_1 : vector<1024x128xf32>
    %reduce_sum3A = arith.constant dense<0.000000e+00> : vector<1024xf32>
    %reduce_sum3A_2 = vector.multi_reduction <add>, %mul3A, %reduce_sum3A [1] : vector<1024x128xf32> to vector<1024xf32>
    %broadcast_in_dim3A = vector.shape_cast %reduce_sum3A_2 : vector<1024xf32> to vector<1024x1xf32>
    %sqrt3A = math.sqrt %broadcast_in_dim3A : vector<1024x1xf32>
    %max3A = arith.constant 9.99999993E-9 : f32
    %max3A_3 = vector.broadcast %max3A : f32 to vector<1024x1xf32>
    %max3A_4 = arith.maximumf %sqrt3A, %max3A_3 : vector<1024x1xf32>
    %div3A = vector.broadcast %max3A_4 : vector<1024x1xf32> to vector<1024x128xf32>
    %div3A_5 = arith.divf %get3A_1, %div3A : vector<1024x128xf32>
    %get3A_6 = arith.constant 0 : index
    %get3A_7 = arith.constant 0 : index
    %get3A_8 = vector.load %arg2[%get3A_6, %get3A_7] : memref<2048x128xf32, #tpu.memory_space<vmem>>, vector<2048x128xf32>
    %mul3A_9 = arith.mulf %get3A_8, %get3A_8 : vector<2048x128xf32>
    %reduce_sum3A_10 = arith.constant dense<0.000000e+00> : vector<2048xf32>
    %reduce_sum3A_11 = vector.multi_reduction <add>, %mul3A_9, %reduce_sum3A_10 [1] : vector<2048x128xf32> to vector<2048xf32>
    %broadcast_in_dim3A_12 = vector.shape_cast %reduce_sum3A_11 : vector<2048xf32> to vector<2048x1xf32>
    %sqrt3A_13 = math.sqrt %broadcast_in_dim3A_12 : vector<2048x1xf32>
    %max3A_14 = arith.constant 9.99999993E-9 : f32
    %max3A_15 = vector.broadcast %max3A_14 : f32 to vector<2048x1xf32>
    %max3A_16 = arith.maximumf %sqrt3A_13, %max3A_15 : vector<2048x1xf32>
    %div3A_17 = vector.broadcast %max3A_16 : vector<2048x1xf32> to vector<2048x128xf32>
    %div3A_18 = arith.divf %get3A_8, %div3A_17 : vector<2048x128xf32>
    %dot_general3A = arith.constant dense<0.000000e+00> : vector<1024x2048xf32>
    %dot_general3A_19 = tpu.matmul %div3A_5, %div3A_18, %dot_general3A {dimension_numbers = #tpu.dot_dimension_numbers<[1], [1], [0], [0], [0, 0, 1, 0], [], []>, transpose_lhs_hint = false} : vector<1024x128xf32>, vector<2048x128xf32>, vector<1024x2048xf32> -> vector<1024x2048xf32>
    %iota3A = tpu.iota {dimensions = array<i32: 1>} : vector<1024x2048xi32>
    %mul3A_20 = arith.constant 2048 : i32
    %mul3A_21 = arith.muli %arg0, %mul3A_20 : i32
    %add3A = vector.broadcast %mul3A_21 : i32 to vector<1024x2048xi32>
    %add3A_22 = arith.addi %iota3A, %add3A : vector<1024x2048xi32>
    %lt3A = arith.constant 100000 : i32
    %lt3A_23 = vector.broadcast %lt3A : i32 to vector<1024x2048xi32>
    %lt3A_24 = arith.cmpi slt, %add3A_22, %lt3A_23 : vector<1024x2048xi32>
    %jit3A = arith.constant 0xFF800000 : f32
    %broadcast_in_dim3A_25 = vector.broadcast %jit3A : f32 to vector<1024x2048xf32>
    %select_n3A = arith.select %lt3A_24, %dot_general3A_19, %broadcast_in_dim3A_25 : vector<1024x2048xi1>, vector<1024x2048xf32>
    %slice3A = vector.extract_strided_slice %select_n3A {offsets = [0, 0], sizes = [1024, 128], strides = [1, 1]} : vector<1024x2048xf32> to vector<1024x128xf32>
    %swap3A = arith.constant 0 : index
    %swap3A_26 = arith.constant 0 : index
    %swap3A_27 = arith.constant 0 : index
    %swap3A_28 = arith.constant 0 : index
    %swap3A_29 = vector.load %arg3[%swap3A, %swap3A_26, %swap3A_27, %swap3A_28] : memref<1x1024x16x128xf32, #tpu.memory_space<vmem>>, vector<1x1024x1x128xf32>
    %swap3A_30 = vector.shape_cast %swap3A_29 : vector<1x1024x1x128xf32> to vector<1024x128xf32>
    %swap3A_31 = vector.shape_cast %slice3A : vector<1024x128xf32> to vector<1x1024x1x128xf32>
    tpu.vector_store %arg3[%swap3A, %swap3A_26, %swap3A_27, %swap3A_28], %swap3A_31 {strides = array<i32>} : memref<1x1024x16x128xf32, #tpu.memory_space<vmem>>, vector<1x1024x1x128xf32>,
    %slice3A_32 = vector.extract_strided_slice %select_n3A {offsets = [0, 128], sizes = [1024, 128], strides = [1, 1]} : vector<1024x2048xf32> to vector<1024x128xf32>
    %swap3A_33 = arith.constant 0 : index
    %swap3A_34 = arith.constant 0 : index
    %swap3A_35 = arith.constant 1 : index
    %swap3A_36 = arith.constant 0 : index
    %swap3A_37 = vector.load %arg3[%swap3A_33, %swap3A_34, %swap3A_35, %swap3A_36] : memref<1x1024x16x128xf32, #tpu.memory_space<vmem>>, vector<1x1024x1x128xf32>
    %swap3A_38 = vector.shape_cast %swap3A_37 : vector<1x1024x1x128xf32> to vector<1024x128xf32>
    %swap3A_39 = vector.shape_cast %slice3A_32 : vector<1024x128xf32> to vector<1x1024x1x128xf32>
    tpu.vector_store %arg3[%swap3A_33, %swap3A_34, %swap3A_35, %swap3A_36], %swap3A_39 {strides = array<i32>} : memref<1x1024x16x128xf32, #tpu.memory_space<vmem>>, vector<1x1024x1x128xf32>,
    %slice3A_40 = vector.extract_strided_slice %select_n3A {offsets = [0, 256], sizes = [1024, 128], strides = [1, 1]} : vector<1024x2048xf32> to vector<1024x128xf32>
    %swap3A_41 = arith.constant 0 : index
    %swap3A_42 = arith.constant 0 : index
    %swap3A_43 = arith.constant 2 : index
    %swap3A_44 = arith.constant 0 : index
    %swap3A_45 = vector.load %arg3[%swap3A_41, %swap3A_42, %swap3A_43, %swap3A_44] : memref<1x1024x16x128xf32, #tpu.memory_space<vmem>>, vector<1x1024x1x128xf32>
    %swap3A_46 = vector.shape_cast %swap3A_45 : vector<1x1024x1x128xf32> to vector<1024x128xf32>
    %swap3A_47 = vector.shape_cast %slice3A_40 : vector<1024x128xf32> to vector<1x1024x1x128xf32>
    tpu.vector_store %arg3[%swap3A_41, %swap3A_42, %swap3A_43, %swap3A_44], %swap3A_47 {strides = array<i32>} : memref<1x1024x16x128xf32, #tpu.memory_space<vmem>>, vector<1x1024x1x128xf32>,
    %slice3A_48 = vector.extract_strided_slice %select_n3A {offsets = [0, 384], sizes = [1024, 128], strides = [1, 1]} : vector<1024x2048xf32> to vector<1024x128xf32>
    %swap3A_49 = arith.constant 0 : index
    %swap3A_50 = arith.constant 0 : index
    %swap3A_51 = arith.constant 3 : index
    %swap3A_52 = arith.constant 0 : index
    %swap3A_53 = vector.load %arg3[%swap3A_49, %swap3A_50, %swap3A_51, %swap3A_52] : memref<1x1024x16x128xf32, #tpu.memory_space<vmem>>, vector<1x1024x1x128xf32>
    %swap3A_54 = vector.shape_cast %swap3A_53 : vector<1x1024x1x128xf32> to vector<1024x128xf32>
    %swap3A_55 = vector.shape_cast %slice3A_48 : vector<1024x128xf32> to vector<1x1024x1x128xf32>
    tpu.vector_store %arg3[%swap3A_49, %swap3A_50, %swap3A_51, %swap3A_52], %swap3A_55 {strides = array<i32>} : memref<1x1024x16x128xf32, #tpu.memory_space<vmem>>, vector<1x1024x1x128xf32>,
    %slice3A_56 = vector.extract_strided_slice %select_n3A {offsets = [0, 512], sizes = [1024, 128], strides = [1, 1]} : vector<1024x2048xf32> to vector<1024x128xf32>
    %swap3A_57 = arith.constant 0 : index
    %swap3A_58 = arith.constant 0 : index
    %swap3A_59 = arith.constant 4 : index
    %swap3A_60 = arith.constant 0 : index
    %swap3A_61 = vector.load %arg3[%swap3A_57, %swap3A_58, %swap3A_59, %swap3A_60] : memref<1x1024x16x128xf32, #tpu.memory_space<vmem>>, vector<1x1024x1x128xf32>
    %swap3A_62 = vector.shape_cast %swap3A_61 : vector<1x1024x1x128xf32> to vector<1024x128xf32>
    %swap3A_63 = vector.shape_cast %slice3A_56 : vector<1024x128xf32> to vector<1x1024x1x128xf32>
    tpu.vector_store %arg3[%swap3A_57, %swap3A_58, %swap3A_59, %swap3A_60], %swap3A_63 {strides = array<i32>} : memref<1x1024x16x128xf32, #tpu.memory_space<vmem>>, vector<1x1024x1x128xf32>,
    %slice3A_64 = vector.extract_strided_slice %select_n3A {offsets = [0, 640], sizes = [1024, 128], strides = [1, 1]} : vector<1024x2048xf32> to vector<1024x128xf32>
    %swap3A_65 = arith.constant 0 : index
    %swap3A_66 = arith.constant 0 : index
    %swap3A_67 = arith.constant 5 : index
    %swap3A_68 = arith.constant 0 : index
    %swap3A_69 = vector.load %arg3[%swap3A_65, %swap3A_66, %swap3A_67, %swap3A_68] : memref<1x1024x16x128xf32, #tpu.memory_space<vmem>>, vector<1x1024x1x128xf32>
    %swap3A_70 = vector.shape_cast %swap3A_69 : vector<1x1024x1x128xf32> to vector<1024x128xf32>
    %swap3A_71 = vector.shape_cast %slice3A_64 : vector<1024x128xf32> to vector<1x1024x1x128xf32>
    tpu.vector_store %arg3[%swap3A_65, %swap3A_66, %swap3A_67, %swap3A_68], %swap3A_71 {strides = array<i32>} : memref<1x1024x16x128xf32, #tpu.memory_space<vmem>>, vector<1x1024x1x128xf32>,
    %slice3A_72 = vector.extract_strided_slice %select_n3A {offsets = [0, 768], sizes = [1024, 128], strides = [1, 1]} : vector<1024x2048xf32> to vector<1024x128xf32>
    %swap3A_73 = arith.constant 0 : index
    %swap3A_74 = arith.constant 0 : index
    %swap3A_75 = arith.constant 6 : index
    %swap3A_76 = arith.constant 0 : index
    %swap3A_77 = vector.load %arg3[%swap3A_73, %swap3A_74, %swap3A_75, %swap3A_76] : memref<1x1024x16x128xf32, #tpu.memory_space<vmem>>, vector<1x1024x1x128xf32>
    %swap3A_78 = vector.shape_cast %swap3A_77 : vector<1x1024x1x128xf32> to vector<1024x128xf32>
    %swap3A_79 = vector.shape_cast %slice3A_72 : vector<1024x128xf32> to vector<1x1024x1x128xf32>
    tpu.vector_store %arg3[%swap3A_73, %swap3A_74, %swap3A_75, %swap3A_76], %swap3A_79 {strides = array<i32>} : memref<1x1024x16x128xf32, #tpu.memory_space<vmem>>, vector<1x1024x1x128xf32>,
    %slice3A_80 = vector.extract_strided_slice %select_n3A {offsets = [0, 896], sizes = [1024, 128], strides = [1, 1]} : vector<1024x2048xf32> to vector<1024x128xf32>
    %swap3A_81 = arith.constant 0 : index
    %swap3A_82 = arith.constant 0 : index
    %swap3A_83 = arith.constant 7 : index
    %swap3A_84 = arith.constant 0 : index
    %swap3A_85 = vector.load %arg3[%swap3A_81, %swap3A_82, %swap3A_83, %swap3A_84] : memref<1x1024x16x128xf32, #tpu.memory_space<vmem>>, vector<1x1024x1x128xf32>
    %swap3A_86 = vector.shape_cast %swap3A_85 : vector<1x1024x1x128xf32> to vector<1024x128xf32>
    %swap3A_87 = vector.shape_cast %slice3A_80 : vector<1024x128xf32> to vector<1x1024x1x128xf32>
    tpu.vector_store %arg3[%swap3A_81, %swap3A_82, %swap3A_83, %swap3A_84], %swap3A_87 {strides = array<i32>} : memref<1x1024x16x128xf32, #tpu.memory_space<vmem>>, vector<1x1024x1x128xf32>,
    %slice3A_88 = vector.extract_strided_slice %select_n3A {offsets = [0, 1024], sizes = [1024, 128], strides = [1, 1]} : vector<1024x2048xf32> to vector<1024x128xf32>
    %swap3A_89 = arith.constant 0 : index
    %swap3A_90 = arith.constant 0 : index
    %swap3A_91 = arith.constant 8 : index
    %swap3A_92 = arith.constant 0 : index
    %swap3A_93 = vector.load %arg3[%swap3A_89, %swap3A_90, %swap3A_91, %swap3A_92] : memref<1x1024x16x128xf32, #tpu.memory_space<vmem>>, vector<1x1024x1x128xf32>
    %swap3A_94 = vector.shape_cast %swap3A_93 : vector<1x1024x1x128xf32> to vector<1024x128xf32>
    %swap3A_95 = vector.shape_cast %slice3A_88 : vector<1024x128xf32> to vector<1x1024x1x128xf32>
    tpu.vector_store %arg3[%swap3A_89, %swap3A_90, %swap3A_91, %swap3A_92], %swap3A_95 {strides = array<i32>} : memref<1x1024x16x128xf32, #tpu.memory_space<vmem>>, vector<1x1024x1x128xf32>,
    %slice3A_96 = vector.extract_strided_slice %select_n3A {offsets = [0, 1152], sizes = [1024, 128], strides = [1, 1]} : vector<1024x2048xf32> to vector<1024x128xf32>
    %swap3A_97 = arith.constant 0 : index
    %swap3A_98 = arith.constant 0 : index
    %swap3A_99 = arith.constant 9 : index
    %swap3A_100 = arith.constant 0 : index
    %swap3A_101 = vector.load %arg3[%swap3A_97, %swap3A_98, %swap3A_99, %swap3A_100] : memref<1x1024x16x128xf32, #tpu.memory_space<vmem>>, vector<1x1024x1x128xf32>
    %swap3A_102 = vector.shape_cast %swap3A_101 : vector<1x1024x1x128xf32> to vector<1024x128xf32>
    %swap3A_103 = vector.shape_cast %slice3A_96 : vector<1024x128xf32> to vector<1x1024x1x128xf32>
    tpu.vector_store %arg3[%swap3A_97, %swap3A_98, %swap3A_99, %swap3A_100], %swap3A_103 {strides = array<i32>} : memref<1x1024x16x128xf32, #tpu.memory_space<vmem>>, vector<1x1024x1x128xf32>,
    %slice3A_104 = vector.extract_strided_slice %select_n3A {offsets = [0, 1280], sizes = [1024, 128], strides = [1, 1]} : vector<1024x2048xf32> to vector<1024x128xf32>
    %swap3A_105 = arith.constant 0 : index
    %swap3A_106 = arith.constant 0 : index
    %swap3A_107 = arith.constant 10 : index
    %swap3A_108 = arith.constant 0 : index
    %swap3A_109 = vector.load %arg3[%swap3A_105, %swap3A_106, %swap3A_107, %swap3A_108] : memref<1x1024x16x128xf32, #tpu.memory_space<vmem>>, vector<1x1024x1x128xf32>
    %swap3A_110 = vector.shape_cast %swap3A_109 : vector<1x1024x1x128xf32> to vector<1024x128xf32>
    %swap3A_111 = vector.shape_cast %slice3A_104 : vector<1024x128xf32> to vector<1x1024x1x128xf32>
    tpu.vector_store %arg3[%swap3A_105, %swap3A_106, %swap3A_107, %swap3A_108], %swap3A_111 {strides = array<i32>} : memref<1x1024x16x128xf32, #tpu.memory_space<vmem>>, vector<1x1024x1x128xf32>,
    %slice3A_112 = vector.extract_strided_slice %select_n3A {offsets = [0, 1408], sizes = [1024, 128], strides = [1, 1]} : vector<1024x2048xf32> to vector<1024x128xf32>
    %swap3A_113 = arith.constant 0 : index
    %swap3A_114 = arith.constant 0 : index
    %swap3A_115 = arith.constant 11 : index
    %swap3A_116 = arith.constant 0 : index
    %swap3A_117 = vector.load %arg3[%swap3A_113, %swap3A_114, %swap3A_115, %swap3A_116] : memref<1x1024x16x128xf32, #tpu.memory_space<vmem>>, vector<1x1024x1x128xf32>
    %swap3A_118 = vector.shape_cast %swap3A_117 : vector<1x1024x1x128xf32> to vector<1024x128xf32>
    %swap3A_119 = vector.shape_cast %slice3A_112 : vector<1024x128xf32> to vector<1x1024x1x128xf32>
    tpu.vector_store %arg3[%swap3A_113, %swap3A_114, %swap3A_115, %swap3A_116], %swap3A_119 {strides = array<i32>} : memref<1x1024x16x128xf32, #tpu.memory_space<vmem>>, vector<1x1024x1x128xf32>,
    %slice3A_120 = vector.extract_strided_slice %select_n3A {offsets = [0, 1536], sizes = [1024, 128], strides = [1, 1]} : vector<1024x2048xf32> to vector<1024x128xf32>
    %swap3A_121 = arith.constant 0 : index
    %swap3A_122 = arith.constant 0 : index
    %swap3A_123 = arith.constant 12 : index
    %swap3A_124 = arith.constant 0 : index
    %swap3A_125 = vector.load %arg3[%swap3A_121, %swap3A_122, %swap3A_123, %swap3A_124] : memref<1x1024x16x128xf32, #tpu.memory_space<vmem>>, vector<1x1024x1x128xf32>
    %swap3A_126 = vector.shape_cast %swap3A_125 : vector<1x1024x1x128xf32> to vector<1024x128xf32>
    %swap3A_127 = vector.shape_cast %slice3A_120 : vector<1024x128xf32> to vector<1x1024x1x128xf32>
    tpu.vector_store %arg3[%swap3A_121, %swap3A_122, %swap3A_123, %swap3A_124], %swap3A_127 {strides = array<i32>} : memref<1x1024x16x128xf32, #tpu.memory_space<vmem>>, vector<1x1024x1x128xf32>,
    %slice3A_128 = vector.extract_strided_slice %select_n3A {offsets = [0, 1664], sizes = [1024, 128], strides = [1, 1]} : vector<1024x2048xf32> to vector<1024x128xf32>
    %swap3A_129 = arith.constant 0 : index
    %swap3A_130 = arith.constant 0 : index
    %swap3A_131 = arith.constant 13 : index
    %swap3A_132 = arith.constant 0 : index
    %swap3A_133 = vector.load %arg3[%swap3A_129, %swap3A_130, %swap3A_131, %swap3A_132] : memref<1x1024x16x128xf32, #tpu.memory_space<vmem>>, vector<1x1024x1x128xf32>
    %swap3A_134 = vector.shape_cast %swap3A_133 : vector<1x1024x1x128xf32> to vector<1024x128xf32>
    %swap3A_135 = vector.shape_cast %slice3A_128 : vector<1024x128xf32> to vector<1x1024x1x128xf32>
    tpu.vector_store %arg3[%swap3A_129, %swap3A_130, %swap3A_131, %swap3A_132], %swap3A_135 {strides = array<i32>} : memref<1x1024x16x128xf32, #tpu.memory_space<vmem>>, vector<1x1024x1x128xf32>,
    %slice3A_136 = vector.extract_strided_slice %select_n3A {offsets = [0, 1792], sizes = [1024, 128], strides = [1, 1]} : vector<1024x2048xf32> to vector<1024x128xf32>
    %swap3A_137 = arith.constant 0 : index
    %swap3A_138 = arith.constant 0 : index
    %swap3A_139 = arith.constant 14 : index
    %swap3A_140 = arith.constant 0 : index
    %swap3A_141 = vector.load %arg3[%swap3A_137, %swap3A_138, %swap3A_139, %swap3A_140] : memref<1x1024x16x128xf32, #tpu.memory_space<vmem>>, vector<1x1024x1x128xf32>
    %swap3A_142 = vector.shape_cast %swap3A_141 : vector<1x1024x1x128xf32> to vector<1024x128xf32>
    %swap3A_143 = vector.shape_cast %slice3A_136 : vector<1024x128xf32> to vector<1x1024x1x128xf32>
    tpu.vector_store %arg3[%swap3A_137, %swap3A_138, %swap3A_139, %swap3A_140], %swap3A_143 {strides = array<i32>} : memref<1x1024x16x128xf32, #tpu.memory_space<vmem>>, vector<1x1024x1x128xf32>,
    %slice3A_144 = vector.extract_strided_slice %select_n3A {offsets = [0, 1920], sizes = [1024, 128], strides = [1, 1]} : vector<1024x2048xf32> to vector<1024x128xf32>
    %swap3A_145 = arith.constant 0 : index
    %swap3A_146 = arith.constant 0 : index
    %swap3A_147 = arith.constant 15 : index
    %swap3A_148 = arith.constant 0 : index
    %swap3A_149 = vector.load %arg3[%swap3A_145, %swap3A_146, %swap3A_147, %swap3A_148] : memref<1x1024x16x128xf32, #tpu.memory_space<vmem>>, vector<1x1024x1x128xf32>
    %swap3A_150 = vector.shape_cast %swap3A_149 : vector<1x1024x1x128xf32> to vector<1024x128xf32>
    %swap3A_151 = vector.shape_cast %slice3A_144 : vector<1024x128xf32> to vector<1x1024x1x128xf32>
    tpu.vector_store %arg3[%swap3A_145, %swap3A_146, %swap3A_147, %swap3A_148], %swap3A_151 {strides = array<i32>} : memref<1x1024x16x128xf32, #tpu.memory_space<vmem>>, vector<1x1024x1x128xf32>,
    %dot_general3A_152 = arith.constant dense<0.000000e+00> : vector<2048x1024xf32>
    %dot_general3A_153 = tpu.matmul %div3A_18, %div3A_5, %dot_general3A_152 {dimension_numbers = #tpu.dot_dimension_numbers<[1], [1], [0], [0], [0, 0, 1, 0], [], []>, transpose_lhs_hint = false} : vector<2048x128xf32>, vector<1024x128xf32>, vector<2048x1024xf32> -> vector<2048x1024xf32>
    %iota3A_154 = tpu.iota {dimensions = array<i32: 0>} : vector<2048x1024xi32>
    %mul3A_155 = arith.constant 2048 : i32
    %mul3A_156 = arith.muli %arg0, %mul3A_155 : i32
    %add3A_157 = vector.broadcast %mul3A_156 : i32 to vector<2048x1024xi32>
    %add3A_158 = arith.addi %iota3A_154, %add3A_157 : vector<2048x1024xi32>
    %lt3A_159 = arith.constant 100000 : i32
    %lt3A_160 = vector.broadcast %lt3A_159 : i32 to vector<2048x1024xi32>
    %lt3A_161 = arith.cmpi slt, %add3A_158, %lt3A_160 : vector<2048x1024xi32>
    %jit3A_162 = arith.constant 0xFF800000 : f32
    %broadcast_in_dim3A_163 = vector.broadcast %jit3A_162 : f32 to vector<2048x1024xf32>
    %select_n3A_164 = arith.select %lt3A_161, %dot_general3A_153, %broadcast_in_dim3A_163 : vector<2048x1024xi1>, vector<2048x1024xf32>
    %slice3A_165 = vector.extract_strided_slice %select_n3A_164 {offsets = [0, 0], sizes = [128, 1024], strides = [1, 1]} : vector<2048x1024xf32> to vector<128x1024xf32>
    %reduce_max3A = arith.constant dense<0xFF800000> : vector<1024xf32>
    %reduce_max3A_166 = vector.multi_reduction <maximumf>, %slice3A_165, %reduce_max3A [0] : vector<128x1024xf32> to vector<1024xf32>
    %swap3A_167 = arith.index_cast %arg0 : i32 to index
    %swap3A_168 = arith.constant 0 : index
    %swap3A_169 = arith.constant 0 : index
    %swap3A_170 = vector.load %arg6[%swap3A_167, %swap3A_168, %swap3A_169] : memref<49x16x1024xf32, #tpu.memory_space<vmem>>, vector<1x1x1024xf32>
    %swap3A_171 = vector.shape_cast %swap3A_170 : vector<1x1x1024xf32> to vector<1024xf32>
    %swap3A_172 = vector.shape_cast %reduce_max3A_166 : vector<1024xf32> to vector<1x1x1024xf32>
    tpu.vector_store %arg6[%swap3A_167, %swap3A_168, %swap3A_169], %swap3A_172 {strides = array<i32>} : memref<49x16x1024xf32, #tpu.memory_space<vmem>>, vector<1x1x1024xf32>,
    %slice3A_173 = vector.extract_strided_slice %select_n3A_164 {offsets = [128, 0], sizes = [128, 1024], strides = [1, 1]} : vector<2048x1024xf32> to vector<128x1024xf32>
    %reduce_max3A_174 = arith.constant dense<0xFF800000> : vector<1024xf32>
    %reduce_max3A_175 = vector.multi_reduction <maximumf>, %slice3A_173, %reduce_max3A_174 [0] : vector<128x1024xf32> to vector<1024xf32>
    %swap3A_176 = arith.index_cast %arg0 : i32 to index
    %swap3A_177 = arith.constant 1 : index
    %swap3A_178 = arith.constant 0 : index
    %swap3A_179 = vector.load %arg6[%swap3A_176, %swap3A_177, %swap3A_178] : memref<49x16x1024xf32, #tpu.memory_space<vmem>>, vector<1x1x1024xf32>
    %swap3A_180 = vector.shape_cast %swap3A_179 : vector<1x1x1024xf32> to vector<1024xf32>
    %swap3A_181 = vector.shape_cast %reduce_max3A_175 : vector<1024xf32> to vector<1x1x1024xf32>
    tpu.vector_store %arg6[%swap3A_176, %swap3A_177, %swap3A_178], %swap3A_181 {strides = array<i32>} : memref<49x16x1024xf32, #tpu.memory_space<vmem>>, vector<1x1x1024xf32>,
    %slice3A_182 = vector.extract_strided_slice %select_n3A_164 {offsets = [256, 0], sizes = [128, 1024], strides = [1, 1]} : vector<2048x1024xf32> to vector<128x1024xf32>
    %reduce_max3A_183 = arith.constant dense<0xFF800000> : vector<1024xf32>
    %reduce_max3A_184 = vector.multi_reduction <maximumf>, %slice3A_182, %reduce_max3A_183 [0] : vector<128x1024xf32> to vector<1024xf32>
    %swap3A_185 = arith.index_cast %arg0 : i32 to index
    %swap3A_186 = arith.constant 2 : index
    %swap3A_187 = arith.constant 0 : index
    %swap3A_188 = vector.load %arg6[%swap3A_185, %swap3A_186, %swap3A_187] : memref<49x16x1024xf32, #tpu.memory_space<vmem>>, vector<1x1x1024xf32>
    %swap3A_189 = vector.shape_cast %swap3A_188 : vector<1x1x1024xf32> to vector<1024xf32>
    %swap3A_190 = vector.shape_cast %reduce_max3A_184 : vector<1024xf32> to vector<1x1x1024xf32>
    tpu.vector_store %arg6[%swap3A_185, %swap3A_186, %swap3A_187], %swap3A_190 {strides = array<i32>} : memref<49x16x1024xf32, #tpu.memory_space<vmem>>, vector<1x1x1024xf32>,
    %slice3A_191 = vector.extract_strided_slice %select_n3A_164 {offsets = [384, 0], sizes = [128, 1024], strides = [1, 1]} : vector<2048x1024xf32> to vector<128x1024xf32>
    %reduce_max3A_192 = arith.constant dense<0xFF800000> : vector<1024xf32>
    %reduce_max3A_193 = vector.multi_reduction <maximumf>, %slice3A_191, %reduce_max3A_192 [0] : vector<128x1024xf32> to vector<1024xf32>
    %swap3A_194 = arith.index_cast %arg0 : i32 to index
    %swap3A_195 = arith.constant 3 : index
    %swap3A_196 = arith.constant 0 : index
    %swap3A_197 = vector.load %arg6[%swap3A_194, %swap3A_195, %swap3A_196] : memref<49x16x1024xf32, #tpu.memory_space<vmem>>, vector<1x1x1024xf32>
    %swap3A_198 = vector.shape_cast %swap3A_197 : vector<1x1x1024xf32> to vector<1024xf32>
    %swap3A_199 = vector.shape_cast %reduce_max3A_193 : vector<1024xf32> to vector<1x1x1024xf32>
    tpu.vector_store %arg6[%swap3A_194, %swap3A_195, %swap3A_196], %swap3A_199 {strides = array<i32>} : memref<49x16x1024xf32, #tpu.memory_space<vmem>>, vector<1x1x1024xf32>,
    %slice3A_200 = vector.extract_strided_slice %select_n3A_164 {offsets = [512, 0], sizes = [128, 1024], strides = [1, 1]} : vector<2048x1024xf32> to vector<128x1024xf32>
    %reduce_max3A_201 = arith.constant dense<0xFF800000> : vector<1024xf32>
    %reduce_max3A_202 = vector.multi_reduction <maximumf>, %slice3A_200, %reduce_max3A_201 [0] : vector<128x1024xf32> to vector<1024xf32>
    %swap3A_203 = arith.index_cast %arg0 : i32 to index
    %swap3A_204 = arith.constant 4 : index
    %swap3A_205 = arith.constant 0 : index
    %swap3A_206 = vector.load %arg6[%swap3A_203, %swap3A_204, %swap3A_205] : memref<49x16x1024xf32, #tpu.memory_space<vmem>>, vector<1x1x1024xf32>
    %swap3A_207 = vector.shape_cast %swap3A_206 : vector<1x1x1024xf32> to vector<1024xf32>
    %swap3A_208 = vector.shape_cast %reduce_max3A_202 : vector<1024xf32> to vector<1x1x1024xf32>
    tpu.vector_store %arg6[%swap3A_203, %swap3A_204, %swap3A_205], %swap3A_208 {strides = array<i32>} : memref<49x16x1024xf32, #tpu.memory_space<vmem>>, vector<1x1x1024xf32>,
    %slice3A_209 = vector.extract_strided_slice %select_n3A_164 {offsets = [640, 0], sizes = [128, 1024], strides = [1, 1]} : vector<2048x1024xf32> to vector<128x1024xf32>
    %reduce_max3A_210 = arith.constant dense<0xFF800000> : vector<1024xf32>
    %reduce_max3A_211 = vector.multi_reduction <maximumf>, %slice3A_209, %reduce_max3A_210 [0] : vector<128x1024xf32> to vector<1024xf32>
    %swap3A_212 = arith.index_cast %arg0 : i32 to index
    %swap3A_213 = arith.constant 5 : index
    %swap3A_214 = arith.constant 0 : index
    %swap3A_215 = vector.load %arg6[%swap3A_212, %swap3A_213, %swap3A_214] : memref<49x16x1024xf32, #tpu.memory_space<vmem>>, vector<1x1x1024xf32>
    %swap3A_216 = vector.shape_cast %swap3A_215 : vector<1x1x1024xf32> to vector<1024xf32>
    %swap3A_217 = vector.shape_cast %reduce_max3A_211 : vector<1024xf32> to vector<1x1x1024xf32>
    tpu.vector_store %arg6[%swap3A_212, %swap3A_213, %swap3A_214], %swap3A_217 {strides = array<i32>} : memref<49x16x1024xf32, #tpu.memory_space<vmem>>, vector<1x1x1024xf32>,
    %slice3A_218 = vector.extract_strided_slice %select_n3A_164 {offsets = [768, 0], sizes = [128, 1024], strides = [1, 1]} : vector<2048x1024xf32> to vector<128x1024xf32>
    %reduce_max3A_219 = arith.constant dense<0xFF800000> : vector<1024xf32>
    %reduce_max3A_220 = vector.multi_reduction <maximumf>, %slice3A_218, %reduce_max3A_219 [0] : vector<128x1024xf32> to vector<1024xf32>
    %swap3A_221 = arith.index_cast %arg0 : i32 to index
    %swap3A_222 = arith.constant 6 : index
    %swap3A_223 = arith.constant 0 : index
    %swap3A_224 = vector.load %arg6[%swap3A_221, %swap3A_222, %swap3A_223] : memref<49x16x1024xf32, #tpu.memory_space<vmem>>, vector<1x1x1024xf32>
    %swap3A_225 = vector.shape_cast %swap3A_224 : vector<1x1x1024xf32> to vector<1024xf32>
    %swap3A_226 = vector.shape_cast %reduce_max3A_220 : vector<1024xf32> to vector<1x1x1024xf32>
    tpu.vector_store %arg6[%swap3A_221, %swap3A_222, %swap3A_223], %swap3A_226 {strides = array<i32>} : memref<49x16x1024xf32, #tpu.memory_space<vmem>>, vector<1x1x1024xf32>,
    %slice3A_227 = vector.extract_strided_slice %select_n3A_164 {offsets = [896, 0], sizes = [128, 1024], strides = [1, 1]} : vector<2048x1024xf32> to vector<128x1024xf32>
    %reduce_max3A_228 = arith.constant dense<0xFF800000> : vector<1024xf32>
    %reduce_max3A_229 = vector.multi_reduction <maximumf>, %slice3A_227, %reduce_max3A_228 [0] : vector<128x1024xf32> to vector<1024xf32>
    %swap3A_230 = arith.index_cast %arg0 : i32 to index
    %swap3A_231 = arith.constant 7 : index
    %swap3A_232 = arith.constant 0 : index
    %swap3A_233 = vector.load %arg6[%swap3A_230, %swap3A_231, %swap3A_232] : memref<49x16x1024xf32, #tpu.memory_space<vmem>>, vector<1x1x1024xf32>
    %swap3A_234 = vector.shape_cast %swap3A_233 : vector<1x1x1024xf32> to vector<1024xf32>
    %swap3A_235 = vector.shape_cast %reduce_max3A_229 : vector<1024xf32> to vector<1x1x1024xf32>
    tpu.vector_store %arg6[%swap3A_230, %swap3A_231, %swap3A_232], %swap3A_235 {strides = array<i32>} : memref<49x16x1024xf32, #tpu.memory_space<vmem>>, vector<1x1x1024xf32>,
    %slice3A_236 = vector.extract_strided_slice %select_n3A_164 {offsets = [1024, 0], sizes = [128, 1024], strides = [1, 1]} : vector<2048x1024xf32> to vector<128x1024xf32>
    %reduce_max3A_237 = arith.constant dense<0xFF800000> : vector<1024xf32>
    %reduce_max3A_238 = vector.multi_reduction <maximumf>, %slice3A_236, %reduce_max3A_237 [0] : vector<128x1024xf32> to vector<1024xf32>
    %swap3A_239 = arith.index_cast %arg0 : i32 to index
    %swap3A_240 = arith.constant 8 : index
    %swap3A_241 = arith.constant 0 : index
    %swap3A_242 = vector.load %arg6[%swap3A_239, %swap3A_240, %swap3A_241] : memref<49x16x1024xf32, #tpu.memory_space<vmem>>, vector<1x1x1024xf32>
    %swap3A_243 = vector.shape_cast %swap3A_242 : vector<1x1x1024xf32> to vector<1024xf32>
    %swap3A_244 = vector.shape_cast %reduce_max3A_238 : vector<1024xf32> to vector<1x1x1024xf32>
    tpu.vector_store %arg6[%swap3A_239, %swap3A_240, %swap3A_241], %swap3A_244 {strides = array<i32>} : memref<49x16x1024xf32, #tpu.memory_space<vmem>>, vector<1x1x1024xf32>,
    %slice3A_245 = vector.extract_strided_slice %select_n3A_164 {offsets = [1152, 0], sizes = [128, 1024], strides = [1, 1]} : vector<2048x1024xf32> to vector<128x1024xf32>
    %reduce_max3A_246 = arith.constant dense<0xFF800000> : vector<1024xf32>
    %reduce_max3A_247 = vector.multi_reduction <maximumf>, %slice3A_245, %reduce_max3A_246 [0] : vector<128x1024xf32> to vector<1024xf32>
    %swap3A_248 = arith.index_cast %arg0 : i32 to index
    %swap3A_249 = arith.constant 9 : index
    %swap3A_250 = arith.constant 0 : index
    %swap3A_251 = vector.load %arg6[%swap3A_248, %swap3A_249, %swap3A_250] : memref<49x16x1024xf32, #tpu.memory_space<vmem>>, vector<1x1x1024xf32>
    %swap3A_252 = vector.shape_cast %swap3A_251 : vector<1x1x1024xf32> to vector<1024xf32>
    %swap3A_253 = vector.shape_cast %reduce_max3A_247 : vector<1024xf32> to vector<1x1x1024xf32>
    tpu.vector_store %arg6[%swap3A_248, %swap3A_249, %swap3A_250], %swap3A_253 {strides = array<i32>} : memref<49x16x1024xf32, #tpu.memory_space<vmem>>, vector<1x1x1024xf32>,
    %slice3A_254 = vector.extract_strided_slice %select_n3A_164 {offsets = [1280, 0], sizes = [128, 1024], strides = [1, 1]} : vector<2048x1024xf32> to vector<128x1024xf32>
    %reduce_max3A_255 = arith.constant dense<0xFF800000> : vector<1024xf32>
    %reduce_max3A_256 = vector.multi_reduction <maximumf>, %slice3A_254, %reduce_max3A_255 [0] : vector<128x1024xf32> to vector<1024xf32>
    %swap3A_257 = arith.index_cast %arg0 : i32 to index
    %swap3A_258 = arith.constant 10 : index
    %swap3A_259 = arith.constant 0 : index
    %swap3A_260 = vector.load %arg6[%swap3A_257, %swap3A_258, %swap3A_259] : memref<49x16x1024xf32, #tpu.memory_space<vmem>>, vector<1x1x1024xf32>
    %swap3A_261 = vector.shape_cast %swap3A_260 : vector<1x1x1024xf32> to vector<1024xf32>
    %swap3A_262 = vector.shape_cast %reduce_max3A_256 : vector<1024xf32> to vector<1x1x1024xf32>
    tpu.vector_store %arg6[%swap3A_257, %swap3A_258, %swap3A_259], %swap3A_262 {strides = array<i32>} : memref<49x16x1024xf32, #tpu.memory_space<vmem>>, vector<1x1x1024xf32>,
    %slice3A_263 = vector.extract_strided_slice %select_n3A_164 {offsets = [1408, 0], sizes = [128, 1024], strides = [1, 1]} : vector<2048x1024xf32> to vector<128x1024xf32>
    %reduce_max3A_264 = arith.constant dense<0xFF800000> : vector<1024xf32>
    %reduce_max3A_265 = vector.multi_reduction <maximumf>, %slice3A_263, %reduce_max3A_264 [0] : vector<128x1024xf32> to vector<1024xf32>
    %swap3A_266 = arith.index_cast %arg0 : i32 to index
    %swap3A_267 = arith.constant 11 : index
    %swap3A_268 = arith.constant 0 : index
    %swap3A_269 = vector.load %arg6[%swap3A_266, %swap3A_267, %swap3A_268] : memref<49x16x1024xf32, #tpu.memory_space<vmem>>, vector<1x1x1024xf32>
    %swap3A_270 = vector.shape_cast %swap3A_269 : vector<1x1x1024xf32> to vector<1024xf32>
    %swap3A_271 = vector.shape_cast %reduce_max3A_265 : vector<1024xf32> to vector<1x1x1024xf32>
    tpu.vector_store %arg6[%swap3A_266, %swap3A_267, %swap3A_268], %swap3A_271 {strides = array<i32>} : memref<49x16x1024xf32, #tpu.memory_space<vmem>>, vector<1x1x1024xf32>,
    %slice3A_272 = vector.extract_strided_slice %select_n3A_164 {offsets = [1536, 0], sizes = [128, 1024], strides = [1, 1]} : vector<2048x1024xf32> to vector<128x1024xf32>
    %reduce_max3A_273 = arith.constant dense<0xFF800000> : vector<1024xf32>
    %reduce_max3A_274 = vector.multi_reduction <maximumf>, %slice3A_272, %reduce_max3A_273 [0] : vector<128x1024xf32> to vector<1024xf32>
    %swap3A_275 = arith.index_cast %arg0 : i32 to index
    %swap3A_276 = arith.constant 12 : index
    %swap3A_277 = arith.constant 0 : index
    %swap3A_278 = vector.load %arg6[%swap3A_275, %swap3A_276, %swap3A_277] : memref<49x16x1024xf32, #tpu.memory_space<vmem>>, vector<1x1x1024xf32>
    %swap3A_279 = vector.shape_cast %swap3A_278 : vector<1x1x1024xf32> to vector<1024xf32>
    %swap3A_280 = vector.shape_cast %reduce_max3A_274 : vector<1024xf32> to vector<1x1x1024xf32>
    tpu.vector_store %arg6[%swap3A_275, %swap3A_276, %swap3A_277], %swap3A_280 {strides = array<i32>} : memref<49x16x1024xf32, #tpu.memory_space<vmem>>, vector<1x1x1024xf32>,
    %slice3A_281 = vector.extract_strided_slice %select_n3A_164 {offsets = [1664, 0], sizes = [128, 1024], strides = [1, 1]} : vector<2048x1024xf32> to vector<128x1024xf32>
    %reduce_max3A_282 = arith.constant dense<0xFF800000> : vector<1024xf32>
    %reduce_max3A_283 = vector.multi_reduction <maximumf>, %slice3A_281, %reduce_max3A_282 [0] : vector<128x1024xf32> to vector<1024xf32>
    %swap3A_284 = arith.index_cast %arg0 : i32 to index
    %swap3A_285 = arith.constant 13 : index
    %swap3A_286 = arith.constant 0 : index
    %swap3A_287 = vector.load %arg6[%swap3A_284, %swap3A_285, %swap3A_286] : memref<49x16x1024xf32, #tpu.memory_space<vmem>>, vector<1x1x1024xf32>
    %swap3A_288 = vector.shape_cast %swap3A_287 : vector<1x1x1024xf32> to vector<1024xf32>
    %swap3A_289 = vector.shape_cast %reduce_max3A_283 : vector<1024xf32> to vector<1x1x1024xf32>
    tpu.vector_store %arg6[%swap3A_284, %swap3A_285, %swap3A_286], %swap3A_289 {strides = array<i32>} : memref<49x16x1024xf32, #tpu.memory_space<vmem>>, vector<1x1x1024xf32>,
    %slice3A_290 = vector.extract_strided_slice %select_n3A_164 {offsets = [1792, 0], sizes = [128, 1024], strides = [1, 1]} : vector<2048x1024xf32> to vector<128x1024xf32>
    %reduce_max3A_291 = arith.constant dense<0xFF800000> : vector<1024xf32>
    %reduce_max3A_292 = vector.multi_reduction <maximumf>, %slice3A_290, %reduce_max3A_291 [0] : vector<128x1024xf32> to vector<1024xf32>
    %swap3A_293 = arith.index_cast %arg0 : i32 to index
    %swap3A_294 = arith.constant 14 : index
    %swap3A_295 = arith.constant 0 : index
    %swap3A_296 = vector.load %arg6[%swap3A_293, %swap3A_294, %swap3A_295] : memref<49x16x1024xf32, #tpu.memory_space<vmem>>, vector<1x1x1024xf32>
    %swap3A_297 = vector.shape_cast %swap3A_296 : vector<1x1x1024xf32> to vector<1024xf32>
    %swap3A_298 = vector.shape_cast %reduce_max3A_292 : vector<1024xf32> to vector<1x1x1024xf32>
    tpu.vector_store %arg6[%swap3A_293, %swap3A_294, %swap3A_295], %swap3A_298 {strides = array<i32>} : memref<49x16x1024xf32, #tpu.memory_space<vmem>>, vector<1x1x1024xf32>,
    %slice3A_299 = vector.extract_strided_slice %select_n3A_164 {offsets = [1920, 0], sizes = [128, 1024], strides = [1, 1]} : vector<2048x1024xf32> to vector<128x1024xf32>
    %reduce_max3A_300 = arith.constant dense<0xFF800000> : vector<1024xf32>
    %reduce_max3A_301 = vector.multi_reduction <maximumf>, %slice3A_299, %reduce_max3A_300 [0] : vector<128x1024xf32> to vector<1024xf32>
    %swap3A_302 = arith.index_cast %arg0 : i32 to index
    %swap3A_303 = arith.constant 15 : index
    %swap3A_304 = arith.constant 0 : index
    %swap3A_305 = vector.load %arg6[%swap3A_302, %swap3A_303, %swap3A_304] : memref<49x16x1024xf32, #tpu.memory_space<vmem>>, vector<1x1x1024xf32>
    %swap3A_306 = vector.shape_cast %swap3A_305 : vector<1x1x1024xf32> to vector<1024xf32>
    %swap3A_307 = vector.shape_cast %reduce_max3A_301 : vector<1024xf32> to vector<1x1x1024xf32>
    tpu.vector_store %arg6[%swap3A_302, %swap3A_303, %swap3A_304], %swap3A_307 {strides = array<i32>} : memref<49x16x1024xf32, #tpu.memory_space<vmem>>, vector<1x1x1024xf32>,
    %eq3A = arith.constant 48 : i32
    %eq3A_308 = arith.cmpi eq, %arg0, %eq3A : i32
    %convert_element_type3A = arith.extui %eq3A_308 : i1 to i32
    %cond3A = arith.constant 0 : i32
    %cond3A_309 = arith.cmpi ne, %convert_element_type3A, %cond3A : i32
    scf.if %cond3A_309 {
      %get3A_310 = arith.constant 0 : index
      %get3A_311 = arith.constant 0 : index
      %get3A_312 = arith.constant 0 : index
      %get3A_313 = vector.load %arg6[%get3A_310, %get3A_311, %get3A_312] : memref<49x16x1024xf32, #tpu.memory_space<vmem>>, vector<49x16x1024xf32>
      %iota3A_314 = tpu.iota {dimensions = array<i32: 0>} : vector<49x16x1024xi32>
      %mul3A_315 = arith.constant 16 : i32
      %mul3A_316 = vector.broadcast %mul3A_315 : i32 to vector<49x16x1024xi32>
      %mul3A_317 = arith.muli %iota3A_314, %mul3A_316 : vector<49x16x1024xi32>
      %iota3A_318 = tpu.iota {dimensions = array<i32: 1>} : vector<49x16x1024xi32>
      %add3A_319 = arith.addi %mul3A_317, %iota3A_318 : vector<49x16x1024xi32>
      %reduce_max3A_320 = arith.constant dense<0xFF800000> : vector<16x1024xf32>
      %reduce_max3A_321 = vector.multi_reduction <maximumf>, %get3A_313, %reduce_max3A_320 [0] : vector<49x16x1024xf32> to vector<16x1024xf32>
      %reduce_max3A_322 = arith.constant dense<0xFF800000> : vector<1024xf32>
      %reduce_max3A_323 = vector.multi_reduction <maximumf>, %reduce_max3A_321, %reduce_max3A_322 [0] : vector<16x1024xf32> to vector<1024xf32>
      %broadcast_in_dim3A_324 = vector.shape_cast %reduce_max3A_323 : vector<1024xf32> to vector<1x1x1024xf32>
      %eq3A_325 = vector.broadcast %broadcast_in_dim3A_324 : vector<1x1x1024xf32> to vector<49x16x1024xf32>
      %eq3A_326 = arith.cmpf oeq, %get3A_313, %eq3A_325 : vector<49x16x1024xf32>
      %jit3A_327 = arith.constant 1073741824 : i32
      %broadcast_in_dim3A_328 = vector.broadcast %jit3A_327 : i32 to vector<49x16x1024xi32>
      %select_n3A_329 = arith.select %eq3A_326, %add3A_319, %broadcast_in_dim3A_328 : vector<49x16x1024xi1>, vector<49x16x1024xi32>
      %reduce_min3A = arith.constant dense<2147483647> : vector<16x1024xi32>
      %reduce_min3A_330 = vector.multi_reduction <minsi>, %select_n3A_329, %reduce_min3A [0] : vector<49x16x1024xi32> to vector<16x1024xi32>
      %reduce_min3A_331 = arith.constant dense<2147483647> : vector<1024xi32>
      %reduce_min3A_332 = vector.multi_reduction <minsi>, %reduce_min3A_330, %reduce_min3A_331 [0] : vector<16x1024xi32> to vector<1024xi32>
      %broadcast_in_dim3A_333 = vector.shape_cast %reduce_min3A_332 : vector<1024xi32> to vector<1x1x1024xi32>
      %eq3A_334 = vector.broadcast %broadcast_in_dim3A_333 : vector<1x1x1024xi32> to vector<49x16x1024xi32>
      %eq3A_335 = arith.cmpi eq, %add3A_319, %eq3A_334 : vector<49x16x1024xi32>
      %jit3A_336 = arith.constant 0xFF800000 : f32
      %broadcast_in_dim3A_337 = vector.broadcast %jit3A_336 : f32 to vector<49x16x1024xf32>
      %select_n3A_338 = arith.select %eq3A_335, %broadcast_in_dim3A_337, %get3A_313 : vector<49x16x1024xi1>, vector<49x16x1024xf32>
      %reduce_max3A_339 = arith.constant dense<0xFF800000> : vector<16x1024xf32>
      %reduce_max3A_340 = vector.multi_reduction <maximumf>, %select_n3A_338, %reduce_max3A_339 [0] : vector<49x16x1024xf32> to vector<16x1024xf32>
      %reduce_max3A_341 = arith.constant dense<0xFF800000> : vector<1024xf32>
      %reduce_max3A_342 = vector.multi_reduction <maximumf>, %reduce_max3A_340, %reduce_max3A_341 [0] : vector<16x1024xf32> to vector<1024xf32>
      %broadcast_in_dim3A_343 = vector.shape_cast %reduce_max3A_342 : vector<1024xf32> to vector<1x1x1024xf32>
      %eq3A_344 = vector.broadcast %broadcast_in_dim3A_343 : vector<1x1x1024xf32> to vector<49x16x1024xf32>
      %eq3A_345 = arith.cmpf oeq, %select_n3A_338, %eq3A_344 : vector<49x16x1024xf32>
      %jit3A_346 = arith.constant 1073741824 : i32
      %broadcast_in_dim3A_347 = vector.broadcast %jit3A_346 : i32 to vector<49x16x1024xi32>
      %select_n3A_348 = arith.select %eq3A_345, %add3A_319, %broadcast_in_dim3A_347 : vector<49x16x1024xi1>, vector<49x16x1024xi32>
      %reduce_min3A_349 = arith.constant dense<2147483647> : vector<16x1024xi32>
      %reduce_min3A_350 = vector.multi_reduction <minsi>, %select_n3A_348, %reduce_min3A_349 [0] : vector<49x16x1024xi32> to vector<16x1024xi32>
      %reduce_min3A_351 = arith.constant dense<2147483647> : vector<1024xi32>
      %reduce_min3A_352 = vector.multi_reduction <minsi>, %reduce_min3A_350, %reduce_min3A_351 [0] : vector<16x1024xi32> to vector<1024xi32>
      %broadcast_in_dim3A_353 = vector.shape_cast %reduce_min3A_352 : vector<1024xi32> to vector<1x1x1024xi32>
      %eq3A_354 = vector.broadcast %broadcast_in_dim3A_353 : vector<1x1x1024xi32> to vector<49x16x1024xi32>
      %eq3A_355 = arith.cmpi eq, %add3A_319, %eq3A_354 : vector<49x16x1024xi32>
      %jit3A_356 = arith.constant 0xFF800000 : f32
      %broadcast_in_dim3A_357 = vector.broadcast %jit3A_356 : f32 to vector<49x16x1024xf32>
      %select_n3A_358 = arith.select %eq3A_355, %broadcast_in_dim3A_357, %select_n3A_338 : vector<49x16x1024xi1>, vector<49x16x1024xf32>
      %reduce_max3A_359 = arith.constant dense<0xFF800000> : vector<16x1024xf32>
      %reduce_max3A_360 = vector.multi_reduction <maximumf>, %select_n3A_358, %reduce_max3A_359 [0] : vector<49x16x1024xf32> to vector<16x1024xf32>
      %reduce_max3A_361 = arith.constant dense<0xFF800000> : vector<1024xf32>
      %reduce_max3A_362 = vector.multi_reduction <maximumf>, %reduce_max3A_360, %reduce_max3A_361 [0] : vector<16x1024xf32> to vector<1024xf32>
      %broadcast_in_dim3A_363 = vector.shape_cast %reduce_max3A_362 : vector<1024xf32> to vector<1x1x1024xf32>
      %eq3A_364 = vector.broadcast %broadcast_in_dim3A_363 : vector<1x1x1024xf32> to vector<49x16x1024xf32>
      %eq3A_365 = arith.cmpf oeq, %select_n3A_358, %eq3A_364 : vector<49x16x1024xf32>
      %jit3A_366 = arith.constant 1073741824 : i32
      %broadcast_in_dim3A_367 = vector.broadcast %jit3A_366 : i32 to vector<49x16x1024xi32>
      %select_n3A_368 = arith.select %eq3A_365, %add3A_319, %broadcast_in_dim3A_367 : vector<49x16x1024xi1>, vector<49x16x1024xi32>
      %reduce_min3A_369 = arith.constant dense<2147483647> : vector<16x1024xi32>
      %reduce_min3A_370 = vector.multi_reduction <minsi>, %select_n3A_368, %reduce_min3A_369 [0] : vector<49x16x1024xi32> to vector<16x1024xi32>
      %reduce_min3A_371 = arith.constant dense<2147483647> : vector<1024xi32>
      %reduce_min3A_372 = vector.multi_reduction <minsi>, %reduce_min3A_370, %reduce_min3A_371 [0] : vector<16x1024xi32> to vector<1024xi32>
      %broadcast_in_dim3A_373 = vector.shape_cast %reduce_min3A_372 : vector<1024xi32> to vector<1x1x1024xi32>
      %eq3A_374 = vector.broadcast %broadcast_in_dim3A_373 : vector<1x1x1024xi32> to vector<49x16x1024xi32>
      %eq3A_375 = arith.cmpi eq, %add3A_319, %eq3A_374 : vector<49x16x1024xi32>
      %jit3A_376 = arith.constant 0xFF800000 : f32
      %broadcast_in_dim3A_377 = vector.broadcast %jit3A_376 : f32 to vector<49x16x1024xf32>
      %select_n3A_378 = arith.select %eq3A_375, %broadcast_in_dim3A_377, %select_n3A_358 : vector<49x16x1024xi1>, vector<49x16x1024xf32>
      %reduce_max3A_379 = arith.constant dense<0xFF800000> : vector<16x1024xf32>
      %reduce_max3A_380 = vector.multi_reduction <maximumf>, %select_n3A_378, %reduce_max3A_379 [0] : vector<49x16x1024xf32> to vector<16x1024xf32>
      %reduce_max3A_381 = arith.constant dense<0xFF800000> : vector<1024xf32>
      %reduce_max3A_382 = vector.multi_reduction <maximumf>, %reduce_max3A_380, %reduce_max3A_381 [0] : vector<16x1024xf32> to vector<1024xf32>
      %broadcast_in_dim3A_383 = vector.shape_cast %reduce_max3A_382 : vector<1024xf32> to vector<1x1x1024xf32>
      %eq3A_384 = vector.broadcast %broadcast_in_dim3A_383 : vector<1x1x1024xf32> to vector<49x16x1024xf32>
      %eq3A_385 = arith.cmpf oeq, %select_n3A_378, %eq3A_384 : vector<49x16x1024xf32>
      %jit3A_386 = arith.constant 1073741824 : i32
      %broadcast_in_dim3A_387 = vector.broadcast %jit3A_386 : i32 to vector<49x16x1024xi32>
      %select_n3A_388 = arith.select %eq3A_385, %add3A_319, %broadcast_in_dim3A_387 : vector<49x16x1024xi1>, vector<49x16x1024xi32>
      %reduce_min3A_389 = arith.constant dense<2147483647> : vector<16x1024xi32>
      %reduce_min3A_390 = vector.multi_reduction <minsi>, %select_n3A_388, %reduce_min3A_389 [0] : vector<49x16x1024xi32> to vector<16x1024xi32>
      %reduce_min3A_391 = arith.constant dense<2147483647> : vector<1024xi32>
      %reduce_min3A_392 = vector.multi_reduction <minsi>, %reduce_min3A_390, %reduce_min3A_391 [0] : vector<16x1024xi32> to vector<1024xi32>
      %broadcast_in_dim3A_393 = vector.shape_cast %reduce_min3A_392 : vector<1024xi32> to vector<1x1x1024xi32>
      %eq3A_394 = vector.broadcast %broadcast_in_dim3A_393 : vector<1x1x1024xi32> to vector<49x16x1024xi32>
      %eq3A_395 = arith.cmpi eq, %add3A_319, %eq3A_394 : vector<49x16x1024xi32>
      %jit3A_396 = arith.constant 0xFF800000 : f32
      %broadcast_in_dim3A_397 = vector.broadcast %jit3A_396 : f32 to vector<49x16x1024xf32>
      %select_n3A_398 = arith.select %eq3A_395, %broadcast_in_dim3A_397, %select_n3A_378 : vector<49x16x1024xi1>, vector<49x16x1024xf32>
      %reduce_max3A_399 = arith.constant dense<0xFF800000> : vector<16x1024xf32>
      %reduce_max3A_400 = vector.multi_reduction <maximumf>, %select_n3A_398, %reduce_max3A_399 [0] : vector<49x16x1024xf32> to vector<16x1024xf32>
      %reduce_max3A_401 = arith.constant dense<0xFF800000> : vector<1024xf32>
      %reduce_max3A_402 = vector.multi_reduction <maximumf>, %reduce_max3A_400, %reduce_max3A_401 [0] : vector<16x1024xf32> to vector<1024xf32>
      %broadcast_in_dim3A_403 = vector.shape_cast %reduce_max3A_402 : vector<1024xf32> to vector<1x1x1024xf32>
      %eq3A_404 = vector.broadcast %broadcast_in_dim3A_403 : vector<1x1x1024xf32> to vector<49x16x1024xf32>
      %eq3A_405 = arith.cmpf oeq, %select_n3A_398, %eq3A_404 : vector<49x16x1024xf32>
      %jit3A_406 = arith.constant 1073741824 : i32
      %broadcast_in_dim3A_407 = vector.broadcast %jit3A_406 : i32 to vector<49x16x1024xi32>
      %select_n3A_408 = arith.select %eq3A_405, %add3A_319, %broadcast_in_dim3A_407 : vector<49x16x1024xi1>, vector<49x16x1024xi32>
      %reduce_min3A_409 = arith.constant dense<2147483647> : vector<16x1024xi32>
      %reduce_min3A_410 = vector.multi_reduction <minsi>, %select_n3A_408, %reduce_min3A_409 [0] : vector<49x16x1024xi32> to vector<16x1024xi32>
      %reduce_min3A_411 = arith.constant dense<2147483647> : vector<1024xi32>
      %reduce_min3A_412 = vector.multi_reduction <minsi>, %reduce_min3A_410, %reduce_min3A_411 [0] : vector<16x1024xi32> to vector<1024xi32>
      %broadcast_in_dim3A_413 = vector.shape_cast %reduce_min3A_412 : vector<1024xi32> to vector<1x1x1024xi32>
      %eq3A_414 = vector.broadcast %broadcast_in_dim3A_413 : vector<1x1x1024xi32> to vector<49x16x1024xi32>
      %eq3A_415 = arith.cmpi eq, %add3A_319, %eq3A_414 : vector<49x16x1024xi32>
      %jit3A_416 = arith.constant 0xFF800000 : f32
      %broadcast_in_dim3A_417 = vector.broadcast %jit3A_416 : f32 to vector<49x16x1024xf32>
      %select_n3A_418 = arith.select %eq3A_415, %broadcast_in_dim3A_417, %select_n3A_398 : vector<49x16x1024xi1>, vector<49x16x1024xf32>
      %reduce_max3A_419 = arith.constant dense<0xFF800000> : vector<16x1024xf32>
      %reduce_max3A_420 = vector.multi_reduction <maximumf>, %select_n3A_418, %reduce_max3A_419 [0] : vector<49x16x1024xf32> to vector<16x1024xf32>
      %reduce_max3A_421 = arith.constant dense<0xFF800000> : vector<1024xf32>
      %reduce_max3A_422 = vector.multi_reduction <maximumf>, %reduce_max3A_420, %reduce_max3A_421 [0] : vector<16x1024xf32> to vector<1024xf32>
      %broadcast_in_dim3A_423 = vector.shape_cast %reduce_max3A_422 : vector<1024xf32> to vector<1x1x1024xf32>
      %eq3A_424 = vector.broadcast %broadcast_in_dim3A_423 : vector<1x1x1024xf32> to vector<49x16x1024xf32>
      %eq3A_425 = arith.cmpf oeq, %select_n3A_418, %eq3A_424 : vector<49x16x1024xf32>
      %jit3A_426 = arith.constant 1073741824 : i32
      %broadcast_in_dim3A_427 = vector.broadcast %jit3A_426 : i32 to vector<49x16x1024xi32>
      %select_n3A_428 = arith.select %eq3A_425, %add3A_319, %broadcast_in_dim3A_427 : vector<49x16x1024xi1>, vector<49x16x1024xi32>
      %reduce_min3A_429 = arith.constant dense<2147483647> : vector<16x1024xi32>
      %reduce_min3A_430 = vector.multi_reduction <minsi>, %select_n3A_428, %reduce_min3A_429 [0] : vector<49x16x1024xi32> to vector<16x1024xi32>
      %reduce_min3A_431 = arith.constant dense<2147483647> : vector<1024xi32>
      %reduce_min3A_432 = vector.multi_reduction <minsi>, %reduce_min3A_430, %reduce_min3A_431 [0] : vector<16x1024xi32> to vector<1024xi32>
      %broadcast_in_dim3A_433 = vector.shape_cast %reduce_min3A_432 : vector<1024xi32> to vector<1x1x1024xi32>
      %eq3A_434 = vector.broadcast %broadcast_in_dim3A_433 : vector<1x1x1024xi32> to vector<49x16x1024xi32>
      %eq3A_435 = arith.cmpi eq, %add3A_319, %eq3A_434 : vector<49x16x1024xi32>
      %jit3A_436 = arith.constant 0xFF800000 : f32
      %broadcast_in_dim3A_437 = vector.broadcast %jit3A_436 : f32 to vector<49x16x1024xf32>
      %select_n3A_438 = arith.select %eq3A_435, %broadcast_in_dim3A_437, %select_n3A_418 : vector<49x16x1024xi1>, vector<49x16x1024xf32>
      %reduce_max3A_439 = arith.constant dense<0xFF800000> : vector<16x1024xf32>
      %reduce_max3A_440 = vector.multi_reduction <maximumf>, %select_n3A_438, %reduce_max3A_439 [0] : vector<49x16x1024xf32> to vector<16x1024xf32>
      %reduce_max3A_441 = arith.constant dense<0xFF800000> : vector<1024xf32>
      %reduce_max3A_442 = vector.multi_reduction <maximumf>, %reduce_max3A_440, %reduce_max3A_441 [0] : vector<16x1024xf32> to vector<1024xf32>
      %broadcast_in_dim3A_443 = vector.shape_cast %reduce_max3A_442 : vector<1024xf32> to vector<1x1x1024xf32>
      %eq3A_444 = vector.broadcast %broadcast_in_dim3A_443 : vector<1x1x1024xf32> to vector<49x16x1024xf32>
      %eq3A_445 = arith.cmpf oeq, %select_n3A_438, %eq3A_444 : vector<49x16x1024xf32>
      %jit3A_446 = arith.constant 1073741824 : i32
      %broadcast_in_dim3A_447 = vector.broadcast %jit3A_446 : i32 to vector<49x16x1024xi32>
      %select_n3A_448 = arith.select %eq3A_445, %add3A_319, %broadcast_in_dim3A_447 : vector<49x16x1024xi1>, vector<49x16x1024xi32>
      %reduce_min3A_449 = arith.constant dense<2147483647> : vector<16x1024xi32>
      %reduce_min3A_450 = vector.multi_reduction <minsi>, %select_n3A_448, %reduce_min3A_449 [0] : vector<49x16x1024xi32> to vector<16x1024xi32>
      %reduce_min3A_451 = arith.constant dense<2147483647> : vector<1024xi32>
      %reduce_min3A_452 = vector.multi_reduction <minsi>, %reduce_min3A_450, %reduce_min3A_451 [0] : vector<16x1024xi32> to vector<1024xi32>
      %broadcast_in_dim3A_453 = vector.shape_cast %reduce_min3A_452 : vector<1024xi32> to vector<1x1x1024xi32>
      %eq3A_454 = vector.broadcast %broadcast_in_dim3A_453 : vector<1x1x1024xi32> to vector<49x16x1024xi32>
      %eq3A_455 = arith.cmpi eq, %add3A_319, %eq3A_454 : vector<49x16x1024xi32>
      %jit3A_456 = arith.constant 0xFF800000 : f32
      %broadcast_in_dim3A_457 = vector.broadcast %jit3A_456 : f32 to vector<49x16x1024xf32>
      %select_n3A_458 = arith.select %eq3A_455, %broadcast_in_dim3A_457, %select_n3A_438 : vector<49x16x1024xi1>, vector<49x16x1024xf32>
      %reduce_max3A_459 = arith.constant dense<0xFF800000> : vector<16x1024xf32>
      %reduce_max3A_460 = vector.multi_reduction <maximumf>, %select_n3A_458, %reduce_max3A_459 [0] : vector<49x16x1024xf32> to vector<16x1024xf32>
      %reduce_max3A_461 = arith.constant dense<0xFF800000> : vector<1024xf32>
      %reduce_max3A_462 = vector.multi_reduction <maximumf>, %reduce_max3A_460, %reduce_max3A_461 [0] : vector<16x1024xf32> to vector<1024xf32>
      %broadcast_in_dim3A_463 = vector.shape_cast %reduce_max3A_462 : vector<1024xf32> to vector<1x1x1024xf32>
      %eq3A_464 = vector.broadcast %broadcast_in_dim3A_463 : vector<1x1x1024xf32> to vector<49x16x1024xf32>
      %eq3A_465 = arith.cmpf oeq, %select_n3A_458, %eq3A_464 : vector<49x16x1024xf32>
      %jit3A_466 = arith.constant 1073741824 : i32
      %broadcast_in_dim3A_467 = vector.broadcast %jit3A_466 : i32 to vector<49x16x1024xi32>
      %select_n3A_468 = arith.select %eq3A_465, %add3A_319, %broadcast_in_dim3A_467 : vector<49x16x1024xi1>, vector<49x16x1024xi32>
      %reduce_min3A_469 = arith.constant dense<2147483647> : vector<16x1024xi32>
      %reduce_min3A_470 = vector.multi_reduction <minsi>, %select_n3A_468, %reduce_min3A_469 [0] : vector<49x16x1024xi32> to vector<16x1024xi32>
      %reduce_min3A_471 = arith.constant dense<2147483647> : vector<1024xi32>
      %reduce_min3A_472 = vector.multi_reduction <minsi>, %reduce_min3A_470, %reduce_min3A_471 [0] : vector<16x1024xi32> to vector<1024xi32>
      %stack3A = vector.shape_cast %reduce_min3A_332 : vector<1024xi32> to vector<1024x1xi32>
      %stack3A_473 = vector.shape_cast %reduce_min3A_352 : vector<1024xi32> to vector<1024x1xi32>
      %stack3A_474 = vector.shape_cast %reduce_min3A_372 : vector<1024xi32> to vector<1024x1xi32>
      %stack3A_475 = vector.shape_cast %reduce_min3A_392 : vector<1024xi32> to vector<1024x1xi32>
      %stack3A_476 = vector.shape_cast %reduce_min3A_412 : vector<1024xi32> to vector<1024x1xi32>
      %stack3A_477 = vector.shape_cast %reduce_min3A_432 : vector<1024xi32> to vector<1024x1xi32>
      %stack3A_478 = vector.shape_cast %reduce_min3A_452 : vector<1024xi32> to vector<1024x1xi32>
      %stack3A_479 = vector.shape_cast %reduce_min3A_472 : vector<1024xi32> to vector<1024x1xi32>
      %stack3A_480 = tpu.concatenate %stack3A, %stack3A_473, %stack3A_474, %stack3A_475, %stack3A_476, %stack3A_477, %stack3A_478, %stack3A_479 in 1 : vector<1024x1xi32>, vector<1024x1xi32>, vector<1024x1xi32>, vector<1024x1xi32>, vector<1024x1xi32>, vector<1024x1xi32>, vector<1024x1xi32>, vector<1024x1xi32> -> vector<1024x8xi32>
      %swap3A_481 = arith.constant 0 : index
      %swap3A_482 = arith.constant 0 : index
      %swap3A_483 = vector.load %arg4[%swap3A_481, %swap3A_482] : memref<1024x8xi32, #tpu.memory_space<vmem>>, vector<1024x8xi32>
      tpu.vector_store %arg4[%swap3A_481, %swap3A_482], %stack3A_480 {strides = array<i32>} : memref<1024x8xi32, #tpu.memory_space<vmem>>, vector<1024x8xi32>,
      %iota3A_484 = tpu.iota {dimensions = array<i32: 0>} : vector<1024x8xi32>
      %jit3A_485 = arith.constant 16 : i32
      %div3A_486 = vector.broadcast %jit3A_485 : i32 to vector<1024x8xi32>
      %div3A_487 = arith.divsi %stack3A_480, %div3A_486 : vector<1024x8xi32>
      %sign3A = arith.constant 0 : i32
      %sign3A_488 = vector.broadcast %sign3A : i32 to vector<1024x8xi32>
      %sign3A_489 = arith.cmpi sgt, %stack3A_480, %sign3A_488 : vector<1024x8xi32>
      %sign3A_490 = arith.extui %sign3A_489 : vector<1024x8xi1> to vector<1024x8xi32>
      %sign3A_491 = arith.constant 0 : i32
      %sign3A_492 = vector.broadcast %sign3A_491 : i32 to vector<1024x8xi32>
      %sign3A_493 = arith.cmpi slt, %stack3A_480, %sign3A_492 : vector<1024x8xi32>
      %sign3A_494 = arith.extui %sign3A_493 : vector<1024x8xi1> to vector<1024x8xi32>
      %sign3A_495 = arith.subi %sign3A_490, %sign3A_494 : vector<1024x8xi32>
      %sign3A_496 = arith.constant 0 : i32
      %sign3A_497 = arith.cmpi sgt, %jit3A_485, %sign3A_496 : i32
      %sign3A_498 = arith.extui %sign3A_497 : i1 to i32
      %sign3A_499 = arith.constant 0 : i32
      %sign3A_500 = arith.cmpi slt, %jit3A_485, %sign3A_499 : i32
      %sign3A_501 = arith.extui %sign3A_500 : i1 to i32
      %sign3A_502 = arith.subi %sign3A_498, %sign3A_501 : i32
      %ne3A = vector.broadcast %sign3A_502 : i32 to vector<1024x8xi32>
      %ne3A_503 = arith.cmpi ne, %sign3A_495, %ne3A : vector<1024x8xi32>
      %rem3A = vector.broadcast %jit3A_485 : i32 to vector<1024x8xi32>
      %rem3A_504 = arith.remsi %stack3A_480, %rem3A : vector<1024x8xi32>
      %ne3A_505 = arith.constant 0 : i32
      %ne3A_506 = vector.broadcast %ne3A_505 : i32 to vector<1024x8xi32>
      %ne3A_507 = arith.cmpi ne, %rem3A_504, %ne3A_506 : vector<1024x8xi32>
      %and3A = arith.andi %ne3A_503, %ne3A_507 : vector<1024x8xi1>
      %sub3A = arith.constant 1 : i32
      %sub3A_508 = vector.broadcast %sub3A : i32 to vector<1024x8xi32>
      %sub3A_509 = arith.subi %div3A_487, %sub3A_508 : vector<1024x8xi32>
      %select_n3A_510 = arith.select %and3A, %sub3A_509, %div3A_487 : vector<1024x8xi1>, vector<1024x8xi32>
      %mul3A_511 = arith.constant 16384 : i32
      %mul3A_512 = vector.broadcast %mul3A_511 : i32 to vector<1024x8xi32>
      %mul3A_513 = arith.muli %select_n3A_510, %mul3A_512 : vector<1024x8xi32>
      %mul3A_514 = arith.constant 16 : i32
      %mul3A_515 = vector.broadcast %mul3A_514 : i32 to vector<1024x8xi32>
      %mul3A_516 = arith.muli %iota3A_484, %mul3A_515 : vector<1024x8xi32>
      %add3A_517 = arith.addi %mul3A_513, %mul3A_516 : vector<1024x8xi32>
      %jit3A_518 = arith.constant 16 : i32
      %eq3A_519 = arith.constant 0 : i32
      %eq3A_520 = arith.cmpi eq, %jit3A_518, %eq3A_519 : i32
      %jit3A_521 = arith.constant 1 : i32
      %select_n3A_522 = arith.select %eq3A_520, %jit3A_521, %jit3A_518 : i32
      %rem3A_523 = vector.broadcast %select_n3A_522 : i32 to vector<1024x8xi32>
      %rem3A_524 = arith.remsi %stack3A_480, %rem3A_523 : vector<1024x8xi32>
      %ne3A_525 = arith.constant 0 : i32
      %ne3A_526 = vector.broadcast %ne3A_525 : i32 to vector<1024x8xi32>
      %ne3A_527 = arith.cmpi ne, %rem3A_524, %ne3A_526 : vector<1024x8xi32>
      %lt3A_528 = arith.constant 0 : i32
      %lt3A_529 = vector.broadcast %lt3A_528 : i32 to vector<1024x8xi32>
      %lt3A_530 = arith.cmpi slt, %rem3A_524, %lt3A_529 : vector<1024x8xi32>
      %lt3A_531 = arith.constant 0 : i32
      %lt3A_532 = arith.cmpi slt, %select_n3A_522, %lt3A_531 : i32
      %ne3A_533 = vector.broadcast %lt3A_532 : i1 to vector<1024x8xi1>
      %ne3A_534 = vector.broadcast %ne3A_533 : vector<1024x8xi1> to vector<1024x8xi1>
      %ne3A_535 = arith.xori %lt3A_530, %ne3A_534 : vector<1024x8xi1>
      %and3A_536 = arith.andi %ne3A_535, %ne3A_527 : vector<1024x8xi1>
      %add3A_537 = vector.broadcast %select_n3A_522 : i32 to vector<1024x8xi32>
      %add3A_538 = arith.addi %rem3A_524, %add3A_537 : vector<1024x8xi32>
      %select_n3A_539 = arith.select %and3A_536, %add3A_538, %rem3A_524 : vector<1024x8xi1>, vector<1024x8xi32>
      %add3A_540 = arith.addi %add3A_517, %select_n3A_539 : vector<1024x8xi32>
      %swap3A_541 = arith.constant 0 : index
      %swap3A_542 = arith.constant 0 : index
      %swap3A_543 = vector.load %arg5[%swap3A_541, %swap3A_542] : memref<1024x8xi32, #tpu.memory_space<vmem>>, vector<1024x8xi32>
      tpu.vector_store %arg5[%swap3A_541, %swap3A_542], %add3A_540 {strides = array<i32>} : memref<1024x8xi32, #tpu.memory_space<vmem>>, vector<1024x8xi32>,
    } else {
    }
    return
  }
  func.func @transform_0(%arg0: i32) -> (i32, i32) {
    %c0_i32 = arith.constant 0 : i32
    %c0_i32_0 = arith.constant 0 : i32
    %c0_i32_1 = arith.constant 0 : i32
    return %c0_i32, %c0_i32_0 : i32, i32
  }
  func.func @transform_1(%arg0: i32) -> (i32, i32) {
    %c0_i32 = arith.constant 0 : i32
    %c0_i32_0 = arith.constant 0 : i32
    return %arg0, %c0_i32 : i32, i32
  }
  func.func @transform_2(%arg0: i32) -> (i32, i32, i32, i32) {
    %c0_i32 = arith.constant 0 : i32
    %c0_i32_0 = arith.constant 0 : i32
    %c0_i32_1 = arith.constant 0 : i32
    %c0_i32_2 = arith.constant 0 : i32
    return %arg0, %c0_i32, %c0_i32_0, %c0_i32_1 : i32, i32, i32, i32
  }
  func.func @transform_3(%arg0: i32) -> (i32, i32) {
    %c0_i32 = arith.constant 0 : i32
    %c0_i32_0 = arith.constant 0 : i32
    %c0_i32_1 = arith.constant 0 : i32
    return %c0_i32, %c0_i32_0 : i32, i32
  }
  func.func @transform_4(%arg0: i32) -> (i32, i32) {
    %c0_i32 = arith.constant 0 : i32
    %c0_i32_0 = arith.constant 0 : i32
    %c0_i32_1 = arith.constant 0 : i32
    return %c0_i32, %c0_i32_0 : i32, i32
  }
}

</mosaic_0001>

<sc_bundles>
// kernel: kernel.5.cloned.1.call-start
scs
__scs_entry_jumppad:
0x0: {  	(pc) =	sbr.rel $0x88, $3  }
0x1: {  	(tag) =	ssettag $0x0;
	lr =	simm.s32 $0x1  }
0x2: {  	[smem:$0x3F9E] =	sst lr;
	_ =	strace $0xD0000000  }
0x3: {  	_ = 	snop  }
0x4: {  	_ = 	snop  }
0x5: {  	_ = 	snop  }
0x6: {  	_ = 	snop  }
0x7: {  	_ = 	snop  }
__scs_overlays_trampoline_lowered:
0x8: {  	[smem:$0x3FAD] =	sst s0  }
0x9: {  	[smem:$0x3FAE] =	sst s1  }
0xa: {  	[smem:$0x3FAF] =	sst s2  }
0xb: {  	[smem:$0x3FB0] =	sst s3  }
0xc: {  	[smem:$0x3FB1] =	sst s4  }
0xd: {  	[smem:$0x3FB2] =	sst s5  }
0xe: {  	[smem:$0x3FB3] =	sst s6  }
0xf: {  	[smem:$0x3FB4] =	sst s7  }
0x10: {  	[smem:$0x3FB5] =	sst s8  }
0x11: {  	[smem:$0x3FB6] =	sst s9;
	s0 =	simm.s32 @!p0 $0x0  }
0x12: {  	s1 =	sld [smem:$0x3F9C];
	s0 =	simm.s32 @p0 $0x1  }
0x13: {  	[smem:$0x3FB7] =	sst s0;
	s0 =	simm.s32 @!p1 $0x0  }
0x14: {  	s2 =	sld [smem:$0x3F9B];
	s0 =	simm.s32 @p1 $0x1  }
0x15: {  	[smem:$0x3FB8] =	sst s0;
	s0 =	simm.s32 @!p2 $0x0  }
0x16: {  	s3 =	sld [smem:$0x3FDB];
	s0 =	simm.s32 @p2 $0x1  }
0x17: {  	s4 =	simm.s32 $0x1BF5;
	[smem:$0x3FBA] =	sst s0  }
0x18: {  	s0 =	sld [smem:$0x3F9D];
	_ =	swait.ge [sflag:s4], $0x0  }
0x19: {  	s7 =	sld [smem:$0x3F9E]  }
0x1a: {  	s8 =	sadd.s32 $0xFFFFE003, lr  }
0x1b: {  	s9 =	sadd.s32 $0xFFFFFEF7, lr;
	s5 =	simm.s32 $0xFFFFFFFF;
	p2 =	slt.u32 s8, $0xFFFFF086  }
0x1c: {  	p1 =	slt.u32 s9, $0xF7A;
	s5 =	simm.s32 @!p2 $0x0  }
0x1d: {  	s5 =	simm.s32 @p1 $0x1;
	p0 =	seq.s32 s7, s2  }
0x1e: {  	s7 =	smul.u32 @!p0 $0xF7A, s2;
	p2 =	seq.s32 @!p0 s5, $0x0  }
0x1f: {  	s9 =	smul.u32 $0xF7A, s1;
	s8 =	simm.s32 @!p0 $0x1BF5;
	p2 =	por !p2, p0  }
0x20: {  	[sflag:s8] =	ssyncset.s32 @!p0 $0xFFFFF086;
	s6 =	sadd.s32 @!p0 s3, s7;
	s7 =	simm.s32 @!p0 $0x108  }
0x21: {  	s3 =	sadd.s32 s3, s9;
	s6 =	sadd.s32 @!p0 $0x88, s6;
	s7 =	simm.s32 @p2 $0x1082  }
0x22: {  	[simem:s7], [sflag:s8] =	dma.local @!p0 [hbm:s6], $0xF7A  }
0x23: {  	s9 =	sor.u32 $0xD0000000, s2;
	s6 =	simm.s32 $0x108;
	_ =	swait.ge @!p0 [sflag:s8], $0x0  }
0x24: {  	s3 =	sadd.s32 $0x88, s3;
	s6 =	simm.s32 @!p1 $0x1082;
	[sflag:s4] =	ssyncset.s32 $0xFFFFF086  }
0x25: {  	[simem:s6], [sflag:s4] =	dma.local [hbm:s3], $0xF7A  }
0x26: {  	[smem:$0x3F9E] =	sst s1;
	(tag) =	ssettag s2;
	_ =	strace s9  }
0x27: {  	s1 =	sld [smem:$0x3FAE]  }
0x28: {  	s2 =	sld [smem:$0x3FAF]  }
0x29: {  	s4 =	sld [smem:$0x3FB1]  }
0x2a: {  	p0 =	seq.s32 s5, $0x0;
	s5 =	sld [smem:$0x3FB2]  }
0x2b: {  	s6 =	sld [smem:$0x3FB3]  }
0x2c: {  	s7 =	sld [smem:$0x3FB4]  }
0x2d: {  	s3 =	simm.s32 $0x108;
	s8 =	sld [smem:$0x3FB5]  }
0x2e: {  	s3 =	simm.s32 @!p0 $0x1082;
	s9 =	sld [smem:$0x3FB6]  }
0x2f: {  	lr =	sadd.s32 s0, s3;
	s0 =	sld [smem:$0x3FAD]  }
0x30: {  	s3 =	sld [smem:$0x3FB0]  }
0x31: {  	[smem:$0x3FB9] =	sst s10  }
0x32: {  	s10 =	sld [smem:$0x3FB7];
	_ =	sdelay $0x3  }
0x33: {  	p0 =	seq.s32 s10, $0x1;
	s10 =	sld [smem:$0x3FB9];
	_ =	sdelay $0x3  }
0x34: {  	[smem:$0x3FB9] =	sst s10  }
0x35: {  	s10 =	sld [smem:$0x3FB8];
	_ =	sdelay $0x3  }
0x36: {  	p1 =	seq.s32 s10, $0x1;
	s10 =	sld [smem:$0x3FB9];
	_ =	sdelay $0x3  }
0x37: {  	[smem:$0x3FB9] =	sst s10  }
0x38: {  	s10 =	sld [smem:$0x3FBA]  }
0x39: {  	_ = 	snop;
	(pc) =	sbr.ind lr, $3  }
0x3a: {  	_ = 	snop  }
0x3b: {  	_ = 	snop  }
0x3c: {  	p2 =	seq.s32 s10, $0x1;
	s10 =	sld [smem:$0x3FB9]  }
0x3d: {  	_ =	shalt  }
0x3e: {  	_ =	shalt  }
0x3f: {  	_ =	shalt  }
0x40: {  	_ =	shalt  }
0x41: {  	_ =	shalt  }
0x42: {  	_ =	shalt  }
0x43: {  	_ =	shalt  }
0x44: {  	_ =	shalt  }
0x45: {  	_ =	shalt  }
0x46: {  	_ =	shalt  }
0x47: {  	_ =	shalt  }
0x48: {  	_ =	shalt  }
0x49: {  	_ =	shalt  }
0x4a: {  	_ =	shalt  }
0x4b: {  	_ =	shalt  }
0x4c: {  	_ =	shalt  }
0x4d: {  	_ =	shalt  }
0x4e: {  	_ =	shalt  }
0x4f: {  	_ =	shalt  }
0x50: {  	_ =	shalt  }
0x51: {  	_ =	shalt  }
0x52: {  	_ =	shalt  }
0x53: {  	_ =	shalt  }
0x54: {  	_ =	shalt  }
0x55: {  	_ =	shalt  }
0x56: {  	_ =	shalt  }
0x57: {  	_ =	shalt  }
0x58: {  	_ =	shalt  }
0x59: {  	_ =	shalt  }
0x5a: {  	_ =	shalt  }
0x5b: {  	_ =	shalt  }
0x5c: {  	_ =	shalt  }
0x5d: {  	_ =	shalt  }
0x5e: {  	_ =	shalt  }
0x5f: {  	_ =	shalt  }
0x60: {  	_ =	shalt  }
0x61: {  	_ =	shalt  }
0x62: {  	_ =	shalt  }
0x63: {  	_ =	shalt  }
0x64: {  	_ =	shalt  }
0x65: {  	_ =	shalt  }
0x66: {  	_ =	shalt  }
0x67: {  	_ =	shalt  }
0x68: {  	_ =	shalt  }
0x69: {  	_ =	shalt  }
0x6a: {  	_ =	shalt  }
0x6b: {  	_ =	shalt  }
0x6c: {  	_ =	shalt  }
0x6d: {  	_ =	shalt  }
0x6e: {  	_ =	shalt  }
0x6f: {  	_ =	shalt  }
0x70: {  	_ =	shalt  }
0x71: {  	_ =	shalt  }
0x72: {  	_ =	shalt  }
0x73: {  	_ =	shalt  }
0x74: {  	_ =	shalt  }
0x75: {  	_ =	shalt  }
0x76: {  	_ =	shalt  }
0x77: {  	_ =	shalt  }
0x78: {  	_ =	shalt  }
0x79: {  	_ =	shalt  }
0x7a: {  	_ =	shalt  }
0x7b: {  	_ =	shalt  }
0x7c: {  	_ =	shalt  }
0x7d: {  	_ =	shalt  }
0x7e: {  	_ =	shalt  }
0x7f: {  	_ =	shalt  }
0x80: {  	_ =	shalt  }
0x81: {  	_ =	shalt  }
0x82: {  	_ =	shalt  }
0x83: {  	_ =	shalt  }
0x84: {  	_ =	shalt  }
0x85: {  	_ =	shalt  }
0x86: {  	_ =	shalt  }
0x87: {  	_ =	shalt  }
.Lfunc_end0:
.L_simem_size_0:
called_computation_lowered:
.L_overlay_start_0:
0x88: {  	s2 =	sld [smem:$0x3FD9]  }
0x89: {  	s3 =	sld [smem:$0x3FFE];
	_ =	sdelay $0x1  }
0x8a: {  	s1 =	srdreg.scid  }
0x8b: {  	s0 =	sand.u32 $0x1, s1  }
0x8c: {  	s14 =	sshll.u32 s0, $0xA;
	s2 =	sadd.s32 s3, s2  }
0x8d: {  	s2 =	sadd.s32 s2, s14  }
0x8e: {  	[smem:$0x3FC5] =	sst s2  }
0x8f: {  	_ = 	snop  }
0x90: {  	s2 =	sld [smem:$0x3FD0];
	_ =	sdelay $0x2  }
0x91: {  	s15 =	simm.s32 $0xA;
	s4 =	simm.s32 $0x10  }
0x92: {  	[smem:s4], [sflag:s15] =	dma.local [hbm:s2], $0x1  }
0x93: {  	_ =	swait.eq [sflag:s15], $0x1  }
0x94: {  	[sflag:s15] =	ssyncset.done $0x0  }
0x95: {  	[sflag:s15] =	ssyncadd.s32 $0xFFFFFFFF  }
0x96: {  	s16 =	sld [smem:$0x11];
	(tm) =	ssettm $0x1  }
0x97: {  	s17 =	sld [smem:$0x3FFB];
	_ =	sdelay $0x3  }
0x98: {  	_ =	strace s17  }
0x99: {  	s3 =	sld [smem:$0x3FFC];
	_ =	sdelay $0x3  }
0x9a: {  	_ =	strace s3  }
0x9b: {  	s3 =	sld [smem:$0x3FFD];
	_ =	sdelay $0x3  }
0x9c: {  	_ =	strace s3  }
0x9d: {  	_ =	strace $0x8FFFFFFF  }
0x9e: {  	s18 =	sld [smem:$0x3FDB];
	_ =	sdelay $0x1  }
0x9f: {  	s19 =	simm.s32 $_scs_section_size  }
0xa0: {  	s5 =	simm.s32 $_size__tile_overlayer_lowered;
	s6 =	simm.s32 $_tile_overlayer_lowered  }
0xa1: {  	s22 =	simm.s32 $0x1BFF;
	s21 =	sshll.u32 s6, $0x1;
	s3 =	sadd.s32 s19, s18  }
0xa2: {  	s7 =	simm.s32 $0x0;
	s20 =	sshll.u32 s5, $0x1;
	s5 =	sadd.s32 s21, s3  }
0xa3: {  	[timem:s7], [sflag:s22] =	dma.local [hbm:s5], s20  }
0xa4: {  	_ =	swait.ge [sflag:s22], s20  }
0xa5: {  	s4 =	ssub.s32 $0x0, s20;
	[sflag:s22] =	ssyncset.done $0x0  }
0xa6: {  	[sflag:s22] =	ssyncadd.s32 s4;
	_ =	sdelay $0x1  }
0xa7: {  	s23 =	simm.s32 $0x1B8B  }
0xa8: {  	_ =	swait.ge [sflag:s23], $0x1  }
0xa9: {  	[sflag:s23] =	ssyncset.done $0x0  }
0xaa: {  	s25 =	simm.s32 $0x1B8E;
	s24 =	sld [smem:$0x3FFE];
	[sflag:s23] =	ssyncadd.s32 $0xFFFFFFFF  }
0xab: {  	s26 =	simm.s32 $execute0_lowered;
	[smem:$0x3FD2] =	sst s25  }
0xac: {  	s5 =	sshll.u32 s26, $0x1;
	_ =	strace $0x80000046;
	[dreg:$0x1] =	wrdreg $0xFFFFFFFF  }
0xad: {  	s28 =	simm.s32 $_size_execute0_lowered;
	s3 =	sadd.s32 s3, s5;
	[dreg:$0x0] =	wrdreg $0x0  }
0xae: {  	s5 =	sshll.u32 s28, $0x1;
	[dreg:$0x2] =	wrdreg s3  }
0xaf: {  	[dreg:$0x3] =	wrdreg s5  }
0xb0: {  	[dreg:$0x4] =	wrdreg $0xC0  }
0xb1: {  	_ =	task [dreg:s7], $0x5FFFF  }
0xb2: {  	[dreg:$0x1] =	wrdreg $0xFFFFFFFF  }
0xb3: {  	[dreg:$0x0] =	wrdreg $0x60  }
0xb4: {  	[dreg:$0x2] =	wrdreg s24  }
0xb5: {  	[dreg:$0x3] =	wrdreg s16  }
0xb6: {  	[dreg:$0x4] =	wrdreg $0x9  }
0xb7: {  	_ =	task.clear_ibuf [dreg:s7], $0x5FFFF;
	_ =	strace $0x90000046  }
0xb8: {  	s29 =	simm.s32 $0x9;
	_ =	strace $0x80000048  }
0xb9: {  	_ =	swait.ge [sflag:s29], $0x1  }
0xba: {  	[sflag:s29] =	ssyncadd.s32 $0xFFFFFFFF  }
0xbb: {  	_ =	strace $0x90000048  }
0xbc: {  	_ =	sfence  }
0xbd: {  	s30 =	sld [smem:$0x0];
	_ =	sdelay $0x2  }
0xbe: {  	s31 =	sshll.u32 s1, $0xD;
	s1 =	sshrl.u32 s1, $0x2  }
0xbf: {  	s3 =	sand.u32 $0x4000, s31;
	s1 =	sadd.s32 s1, s30  }
0xc0: {  	s0 =	sor.u32 s3, s0;
	s1 =	sshll.u32 s1, $0x11  }
0xc1: {  	s0 =	sor.u32 s1, s0  }
0xc2: {  	s0 =	sadd.s32 $0x8F2B, s0  }
0xc3: {  	[sflag:s0] =	ssyncadd.remote.s32 $0x1  }
0xc4: {  	_ =	sfence.sel $0xFFFF  }
0xc5: {  	[dreg:$0x0] =	wrdreg $0xFFFFFFFF;
	(pc) =	sbr.abs _section_cstart, $3  }
0xc6: {  	[dreg:$0x1] =	wrdreg $0xFFFFFFFF  }
0xc7: {  	_ =	task.clear_ibuf [dreg:s7], $0x2FFFF;
	_ =	strace $0x9FFFFFFF  }
0xc8: {  	(tm) =	ssettm $0x7FFFFFFF  }
0xc9: {  	_ =	shalt  }
tec
execute0_lowered:
.L_overlay_start_1:
0x0: {  	(tag) =	ssettag $0x1  }
0x1: {  	s1 =	srdreg.scid  }
0x2: {  	s11 =	rddreg [dreg:$0x0];
	s0 =	stileid.u32;
	s10 =	sand.u32 $0x1, s1  }
0x3: {  	s3 =	rddreg [dreg:$0x1];
	s4 =	sshll.u32 s0, $0x9;
	s5 =	sshll.u32 s10, $0x8  }
0x4: {  	s2 =	simm.s32 $0x0;
	s1 =	rddreg [dreg:$0x2];
	s12 =	sor.u32 s5, s4  }
0x5: {  	[smem:$0x7FF] =	sst s2;
	s4 =	sshrl.u32 s12, $0x3  }
0x6: {  	_ =	strace $0x80000047;
	s4 =	sadd.s32 s3, s4;
	s3 =	simm.s32 $0x2  }
0x7: {  	[tilespmem:s2], [sflag:$0x2] =	stream.linear.gather [hbm4b:s4+s2], $0x80, $0x38;
	[tilespmem:$0x8100] =	vst v63  }
0x8: {  	_ =	swait.ge [sflag:s3], $0x80  }
0x9: {  	s6 =	simm.s32 $0x80;
	s7 =	simm.s32 $0x100;
	[sflag:s3] =	ssyncset.done $0x0  }
0xa: {  	s8 =	simm.s32 $0x1;
	s5 =	sadd.s32 $0x189000, s11;
	[sflag:s3] =	ssyncadd.s32 $0xFFFFFF80  }
0xb: {  	[tilespmem:s7], [sflag:$0x1] =	stream.indirect.gather [hbm4b:s5+s6], $0x80, s2, s6, $0xb8;
	[tilespmem:$0x8100] =	vst v63  }
0xc: {  	_ =	swait.ge [sflag:s8], $0x4000  }
0xd: {  	[sflag:s8] =	ssyncset.done $0x0  }
0xe: {  	s13 =	ssub.s32 $0x2, s10;
	s9 =	sadd.s32 $0x10, s4;
	[sflag:s8] =	ssyncadd.s32 $0xFFFFC000  }
0xf: {  	[tilespmem:s6], [sflag:$0x2] =	stream.linear.gather [hbm4b:s9+s2], $0x80, $0x38;
	[tilespmem:$0x8100] =	vst v63  }
0x10: {  	s10 =	simm.s32 $0x4100;
	s14 =	sshrl.u32 s13, $0x1;
	_ =	swait.ge [sflag:s3], $0x80  }
0x11: {  	s12 =	sshll.u32 s12, $0x4;
	s31 =	ssub.s32 s13, s14;
	[sflag:s3] =	ssyncset.done $0x0  }
0x12: {  	s11 =	sadd.s32 s12, s11;
	s12 =	smax.u32 s31, $0x1;
	[sflag:s3] =	ssyncadd.s32 $0xFFFFFF80  }
0x13: {  	[tilespmem:s10], [sflag:$0x1] =	stream.indirect.gather [hbm4b:s5+s6], $0x80, s6, s6, $0xb8;
	[tilespmem:$0x8100] =	vst v63  }
0x14: {  	p0 =	sne.s32 s12, $0x1;
	_ =	swait.ge [sflag:s8], $0x4000  }
.Ltmp0:
0x15: {  	[sflag:s8] =	ssyncset.done $0x0;
	(pc) =	sbr.rel @!p0 .LBB2_2-.Ltmp0, $4  }
0x16: {  	s11 =	sadd.s32 $0x5000, s11;
	[sflag:s8] =	ssyncadd.s32 $0xFFFFC000  }
0x17: {  	[hbm4b:s11+s2] =	stream.linear.scatter [tilespmem:s7], [sflag:$0x2], $0x8000, $0x38;
	[tilespmem:$0x8100] =	vst v63  }
0x18: {  	_ =	swait.ge [sflag:s3], $0x8000  }
0x19: {  	s12 =	sadd.s32 $0xFFFFFFFF, s12;
	[sflag:s3] =	ssyncset.done $0x0  }
.LBB2_1:
0x1a: {  	p0 =	sne.s32 s12, $0x1;
	s12 =	sadd.s32 $0xFFFFFFFF, s12;
	[sflag:s3] =	ssyncadd.s32 $0xFFFF8000  }
0x1b: {  	[tilespmem:s2], [sflag:$0x2] =	stream.linear.gather [hbm4b:s4+s2], $0x80, $0x38;
	[tilespmem:$0x8100] =	vst v63  }
0x1c: {  	_ =	swait.ge [sflag:s3], $0x80  }
0x1d: {  	[sflag:s3] =	ssyncset.done $0x0  }
0x1e: {  	[sflag:s3] =	ssyncadd.s32 $0xFFFFFF80  }
0x1f: {  	[tilespmem:s7], [sflag:$0x1] =	stream.indirect.gather [hbm4b:s5+s6], $0x80, s2, s6, $0xb8;
	[tilespmem:$0x8100] =	vst v63  }
0x20: {  	_ =	swait.ge [sflag:s8], $0x4000  }
0x21: {  	[sflag:s8] =	ssyncset.done $0x0  }
0x22: {  	[sflag:s8] =	ssyncadd.s32 $0xFFFFC000  }
0x23: {  	[tilespmem:s6], [sflag:$0x2] =	stream.linear.gather [hbm4b:s9+s2], $0x80, $0x38;
	[tilespmem:$0x8100] =	vst v63  }
0x24: {  	_ =	swait.ge [sflag:s3], $0x80  }
0x25: {  	[sflag:s3] =	ssyncset.done $0x0  }
0x26: {  	[sflag:s3] =	ssyncadd.s32 $0xFFFFFF80  }
0x27: {  	[tilespmem:s10], [sflag:$0x1] =	stream.indirect.gather [hbm4b:s5+s6], $0x80, s6, s6, $0xb8;
	[tilespmem:$0x8100] =	vst v63  }
0x28: {  	_ =	swait.ge [sflag:s8], $0x4000  }
.Ltmp1:
0x29: {  	[sflag:s8] =	ssyncset.done $0x0;
	(pc) =	sbr.rel @p0 .LBB2_1-.Ltmp1, $4  }
0x2a: {  	[sflag:s8] =	ssyncadd.s32 $0xFFFFC000  }
0x2b: {  	[hbm4b:s11+s2] =	stream.linear.scatter [tilespmem:s7], [sflag:$0x2], $0x8000, $0x38;
	[tilespmem:$0x8100] =	vst v63  }
0x2c: {  	_ =	swait.ge [sflag:s3], $0x8000  }
0x2d: {  	[sflag:s3] =	ssyncset.done $0x0  }
.LBB2_2:
0x2e: {  	[sflag:s3] =	ssyncadd.s32 $0xFFFF8000  }
0x2f: {  	_ =	sfence.sel $0x180000  }
0x30: {  	[bflag:$0x0] =	sbarrier.arrive $0xFFFF  }
0x31: {  	p0 =	sne.s32 s0, $0x0;
	_ =	strace $0x90000047  }
0x32: {  	s0 =	sadd.s32 @!p0 $0x100000, s1;
	[bflag:$0x2] =	sbarrier.arrive $0xFFFF  }
0x33: {  	[sflag:s0] =	ssyncadd.tile.s32 @!p0 $0x1;
	_ =	shalt  }
.Lfunc_end2:
_tile_overlayer_lowered:
.L_overlay_start_2:
0x34: {  	(tag) =	ssettag $0x2  }
0x35: {  	s0 =	rddreg [dreg:$0x0];
	s2 =	stileid.u32  }
0x36: {  	s1 =	rddreg [dreg:$0x1];
	p0 =	sne.s32 s2, $0x0  }
0x37: {  	s3 =	rddreg [dreg:$0x2];
	[bflag:$0x3] =	sbarrier.arrive $0xFFFF;
	s2 =	simm.s32 @!p0 $0x1C02  }
0x38: {  	[timem:s3], [sflag:s2] =	dma.local @!p0 [hbm:s0], s1  }
0x39: {  	s0 =	simm.s32 @!p0 $0x2  }
0x3a: {  	_ =	swait.ge @!p0 [sflag:s0], s1  }
0x3b: {  	s1 =	ssub.s32 @!p0 $0x0, s1;
	[sflag:s0] =	ssyncset.done @!p0 $0x0  }
0x3c: {  	[sflag:s0] =	ssyncadd.s32 @!p0 s1  }
0x3d: {  	[bflag:$0x3] =	sbarrier.arrive $0xFFFF  }
0x3e: {  	_ =	shalt  }

</sc_bundles>
